<compile_context>
chip_gen: v7x
topology: tpu7x:2x2x1
jax: 0.10.2.dev20260603
libtpu: 0.0.44.dev20260713+nightly
codegen_flags: <defaults>
</compile_context>

<pallas_src>
import functools

import numpy as np
import jax
import jax.numpy as jnp
from jax import lax
from jax.experimental import pallas as pl
from jax.experimental.pallas import tpu as pltpu
from jax.experimental.pallas import tpu_sc as plsc

_N = 65536
_L = 16
_F = 2
_T = 1 << 19
_BASE_RES = 16.0
_MAX_RES = 512.0
_GROWTH = float(np.exp((np.log(_MAX_RES) - np.log(_BASE_RES)) / (_L - 1)))
_SCALES = np.array([np.float32(_BASE_RES * (_GROWTH ** l)) for l in range(_L)],
                   dtype=np.float32)
_PRIMES = [1, 2654435761 - (1 << 32), 805459861, 3674653429 - (1 << 32)]

_NW = 32
_PW = _N // _NW
_C = 1024
_NCHUNK = _PW // _C
_NGRP = _C // 16


def _encode_body(coords_hbm, tables_hbm, scales_hbm, out_hbm,
                 coords_v, scales_v, idx0_v, idx1_v, rows0_v, rows1_v,
                 feats_v, sem0, sem1):
    cid = lax.axis_index("c")
    sid = lax.axis_index("s")
    wid = sid * 2 + cid
    base = wid * _PW
    for d in range(4):
        pltpu.sync_copy(coords_hbm.at[pl.ds(d * _N + base, _PW)],
                        coords_v.at[pl.ds(d * _PW, _PW)])
    pltpu.sync_copy(scales_hbm, scales_v)
    io = lax.iota(jnp.int32, 16)
    io32 = io * 32
    col0 = jnp.zeros((16,), jnp.int32)

    def chunk_body(ch, carry):
        cbase = ch * _C

        def level_body(l, carry):
            res = plsc.load_gather(scales_v, [col0 + l])
            lvl_off2 = l * (2 * _T)

            def grp_a(g, carry):
                p0 = cbase + g * 16
                hs = []
                for d in range(4):
                    cv = coords_v[pl.ds(d * _PW + p0, 16)]
                    scaled = cv * res
                    ip = scaled.astype(jnp.int32)
                    if d == 0:
                        a = ip
                        b = ip + 1
                    else:
                        a = ip * _PRIMES[d]
                        b = a + _PRIMES[d]
                    hs.append((a, b))
                s0 = g * 16
                for c in range(16):
                    h = hs[0][c & 1]
                    for d in range(1, 4):
                        h = h ^ hs[d][(c >> d) & 1]
                    i0 = (h & (_T - 1)) * 2 + lvl_off2
                    idx0_v[pl.ds(c * _C + s0, 16)] = i0
                    idx1_v[pl.ds(c * _C + s0, 16)] = i0 + 1
                return carry

            lax.fori_loop(0, _NGRP, grp_a, 0)
            cp0 = pltpu.async_copy(tables_hbm.at[idx0_v], rows0_v, sem0)
            cp1 = pltpu.async_copy(tables_hbm.at[idx1_v], rows1_v, sem1)
            cp0.wait()
            cp1.wait()

            def grp_c(g, carry):
                p0 = cbase + g * 16
                w = []
                omw = []
                for d in range(4):
                    cv = coords_v[pl.ds(d * _PW + p0, 16)]
                    scaled = cv * res
                    ip = scaled.astype(jnp.int32)
                    wd = scaled - ip.astype(jnp.float32)
                    w.append(wd)
                    omw.append(1.0 - wd)
                p_a = [omw[0] * omw[1], w[0] * omw[1], omw[0] * w[1], w[0] * w[1]]
                p_b = [omw[2] * omw[3], w[2] * omw[3], omw[2] * w[3], w[2] * w[3]]
                acc0 = jnp.zeros((16,), jnp.float32)
                acc1 = jnp.zeros((16,), jnp.float32)
                s0 = g * 16
                for c in range(16):
                    wc = p_a[c & 3] * p_b[(c >> 2) & 3]
                    f0 = rows0_v[pl.ds(c * _C + s0, 16)]
                    f1 = rows1_v[pl.ds(c * _C + s0, 16)]
                    acc0 = acc0 + f0 * wc
                    acc1 = acc1 + f1 * wc
                fs = io32 + (g * (16 * 2 * _L) + 2 * l)
                plsc.store_scatter(feats_v, [fs], acc0)
                plsc.store_scatter(feats_v, [fs + 1], acc1)
                return carry

            lax.fori_loop(0, _NGRP, grp_c, 0)
            return carry

        lax.fori_loop(0, _L, level_body, 0)
        pltpu.sync_copy(feats_v,
                        out_hbm.at[pl.ds((base + cbase) * (2 * _L), _C * 2 * _L)])
        return carry

    lax.fori_loop(0, _NCHUNK, chunk_body, 0)


_encode = functools.partial(
    pl.kernel,
    mesh=plsc.VectorSubcoreMesh(core_axis_name="c", subcore_axis_name="s"),
    out_type=jax.ShapeDtypeStruct((_N * 2 * _L,), jnp.float32),
    compiler_params=pltpu.CompilerParams(
        needs_layout_passes=False, use_tc_tiling_on_sc=False),
    scratch_types=[
        pltpu.VMEM((4 * _PW,), jnp.float32),
        pltpu.VMEM((_L,), jnp.float32),
        pltpu.VMEM((16 * _C,), jnp.int32),
        pltpu.VMEM((16 * _C,), jnp.int32),
        pltpu.VMEM((16 * _C,), jnp.float32),
        pltpu.VMEM((16 * _C,), jnp.float32),
        pltpu.VMEM((_C * 2 * _L,), jnp.float32),
        pltpu.SemaphoreType.DMA,
        pltpu.SemaphoreType.DMA,
    ],
)(_encode_body)


_BN = 4096


def _mlp_body(x_ref, w1_ref, b1_ref, w2_ref, b2_ref, w3_ref, b3_ref, o_ref):
    x = x_ref[...]
    h = jnp.maximum(
        jnp.dot(x, w1_ref[...], preferred_element_type=jnp.float32) + b1_ref[...],
        0.0)
    h = jnp.maximum(
        jnp.dot(h, w2_ref[...], preferred_element_type=jnp.float32) + b2_ref[...],
        0.0)
    z = jnp.dot(h, w3_ref[...], preferred_element_type=jnp.float32) + b3_ref[...]
    o_ref[...] = jax.nn.sigmoid(z)


def _mlp(feats, W1, b1, W2, b2, W3p, b3p):
    return pl.pallas_call(
        _mlp_body,
        grid=(_N // _BN,),
        in_specs=[
            pl.BlockSpec((_BN, 2 * _L), lambda i: (i, 0)),
            pl.BlockSpec((2 * _L, 256), lambda i: (0, 0)),
            pl.BlockSpec((1, 256), lambda i: (0, 0)),
            pl.BlockSpec((256, 128), lambda i: (0, 0)),
            pl.BlockSpec((1, 128), lambda i: (0, 0)),
            pl.BlockSpec((128, 128), lambda i: (0, 0)),
            pl.BlockSpec((1, 128), lambda i: (0, 0)),
        ],
        out_specs=pl.BlockSpec((_BN, 128), lambda i: (i, 0)),
        out_shape=jax.ShapeDtypeStruct((_N, 128), jnp.float32),
    )(feats, W1, b1, W2, b2, W3p, b3p)


def kernel(coords, tables, W1, b1, W2, b2, W3, b3):
    coords_flat = coords.T.reshape(-1)
    tables_flat = tables.reshape(-1)
    scales = jnp.asarray(_SCALES)
    feats = _encode(coords_flat, tables_flat, scales).reshape(_N, 2 * _L)
    W3p = jnp.pad(W3, ((0, 0), (0, 125)))
    b3p = jnp.pad(b3, (0, 125))
    out = _mlp(feats, W1, b1[None, :], W2, b2[None, :], W3p, b3p[None, :])
    return out[:, :3]

# --- scband reference (transcript-rebuilt; emitter-appended) ---
"""Pipeline reference for scband-rgbreconstruction-model-27470610825581 (READ-ONLY COPY).

The authoritative reference and input builder live on the scoring server;
editing this copy changes nothing except your own understanding.
"""

import jax, jax.numpy as jnp
import numpy as np

N_POINTS = 65536
L = 16
F = 2
T = 1 << 19
BASE_RES = 16.0
MAX_RES = 512.0
GROWTH = float(np.exp((np.log(MAX_RES) - np.log(BASE_RES)) / (L - 1)))
PRIMES = np.array([1, 2654435761, 805459861, 3674653429], dtype=np.uint32)
CORNERS = np.array([[(c >> d) & 1 for d in range(4)] for c in range(16)])
CORNERS_U = CORNERS.astype(np.uint32)
CORNERS_F = CORNERS.astype(np.float32)


def _hash4(ip):
    # ip: uint32 [N, 4] integer lattice coords -> int32 hash index in [0, T)
    h = ip[:, 0] * PRIMES[0]
    for d in range(1, 4):
        h = h ^ (ip[:, d] * PRIMES[d])
    return (h & np.uint32(T - 1)).astype(jnp.int32)


def _earth4d_encode(coords, tables):
    # coords: float32 [N, 4] in [0,1); tables: float32 [L, T, F]
    feats = []
    for l in range(L):
        res = BASE_RES * (GROWTH ** l)
        scaled = coords * res
        pos0 = jnp.floor(scaled)
        w = scaled - pos0  # quadrilinear interp weights, differentiable w.r.t. coords
        ip0 = pos0.astype(jnp.uint32)
        acc = jnp.zeros((coords.shape[0], F), dtype=coords.dtype)
        for c in range(16):  # 16 corners of the 4D hypercube
            idx = _hash4(ip0 + CORNERS_U[c][None, :])
            wc = jnp.prod(jnp.where(CORNERS_F[c][None, :] > 0.5, w, 1.0 - w), axis=1)
            acc = acc + tables[l][idx] * wc[:, None]
        feats.append(acc)
    return jnp.concatenate(feats, axis=1)  # [N, L*F]


def setup_inputs(seed: int = 0):
    key = jax.random.key(seed)
    ks = jax.random.split(key, 8)
    coords = jax.random.uniform(ks[0], (N_POINTS, 4), dtype=jnp.float32)
    tables = jax.random.uniform(ks[1], (L, T, F), dtype=jnp.float32, minval=-1e-4, maxval=1e-4)
    d = L * F
    W1 = jax.random.normal(ks[2], (d, 256), dtype=jnp.float32) / np.sqrt(d)
    b1 = jnp.zeros((256,), dtype=jnp.float32)
    W2 = jax.random.normal(ks[3], (256, 128), dtype=jnp.float32) / np.sqrt(256.0)
    b2 = jnp.zeros((128,), dtype=jnp.float32)
    W3 = jax.random.normal(ks[4], (128, 3), dtype=jnp.float32) / np.sqrt(128.0)
    b3 = jnp.zeros((3,), dtype=jnp.float32)
    return {"coords": coords, "tables": tables, "W1": W1, "b1": b1, "W2": W2, "b2": b2, "W3": W3, "b3": b3}


def reference(coords, tables, W1, b1, W2, b2, W3, b3):
    feat = _earth4d_encode(coords, tables)
    h = jax.nn.relu(feat @ W1 + b1)
    h = jax.nn.relu(h @ W2 + b2)
    return jax.nn.sigmoid(h @ W3 + b3)

if __name__ == "__main__":
    import jax
    _d = setup_inputs()
    print(jax.jit(kernel)(*tuple(_d.values())))

</pallas_src>

<mosaic_0001>
#map = affine_map<(d0, d1) -> (0)>
module attributes {stable_mosaic.version = 14 : i64} {
  func.func @_encode_body(%arg0: i32, %arg1: i32, %arg2: memref<262144xf32, #tpu.memory_space<hbm>>, %arg3: memref<16777216xf32, #tpu.memory_space<hbm>>, %arg4: memref<16xf32, #tpu.memory_space<hbm>>, %arg5: memref<2097152xf32, #tpu.memory_space<hbm>>, %arg6: memref<8192xf32, #tpu.memory_space<vmem>>, %arg7: memref<16xf32, #tpu.memory_space<vmem>>, %arg8: memref<16384xi32, #tpu.memory_space<vmem>>, %arg9: memref<16384xi32, #tpu.memory_space<vmem>>, %arg10: memref<16384xf32, #tpu.memory_space<vmem>>, %arg11: memref<16384xf32, #tpu.memory_space<vmem>>, %arg12: memref<32768xf32, #tpu.memory_space<vmem>>, %arg13: memref<!tpu.dma_semaphore, #tpu.memory_space<semaphore_mem>>, %arg14: memref<!tpu.dma_semaphore, #tpu.memory_space<semaphore_mem>>) attributes {dimension_semantics = [#tpu.dimension_semantics<core_parallel>, #tpu.dimension_semantics<subcore_parallel>], iteration_bounds = array<i64: 2, 16>, scalar_prefetch = 0 : i64, scratch_operands = 9 : i64, tpu.core_type = #tpu.core_type<sc_vector_subcore>, window_params = [{transform_indices = #map}, {transform_indices = #map}, {transform_indices = #map}, {transform_indices = #map}]} {
    %mul3A = arith.constant 2 : i32
    %mul3A_0 = arith.muli %arg1, %mul3A : i32
    %add3A = arith.addi %mul3A_0, %arg0 : i32
    %mul3A_1 = arith.constant 2048 : i32
    %mul3A_2 = arith.muli %add3A, %mul3A_1 : i32
    %add3A_3 = arith.constant 0 : i32
    %add3A_4 = arith.addi %add3A_3, %mul3A_2 : i32
    "tpu.region"() ({
      %run_scoped3A = tpu.sem_alloc : memref<!tpu.dma_semaphore, #tpu.memory_space<semaphore_mem>>
      %dma_start3A = arith.constant 0 : i32
      %dma_start3A_20 = tpu.memref_slice %arg6[%dma_start3A] : memref<8192xf32, #tpu.memory_space<vmem>> -> memref<2048xf32, #tpu.memory_space<vmem>>
      %dma_start3A_21 = tpu.memref_slice %arg2[%add3A_4] : memref<262144xf32, #tpu.memory_space<hbm>> -> memref<2048xf32, #tpu.memory_space<hbm>>
      %dma_start3A_22 = arith.constant 0 : i32
      %dma_start3A_23 = tpu.memref_slice %arg6[%dma_start3A_22] : memref<8192xf32, #tpu.memory_space<vmem>> -> memref<2048xf32, #tpu.memory_space<vmem>>
      %dma_start3A_24 = tpu.memref_slice %arg2[%add3A_4] : memref<262144xf32, #tpu.memory_space<hbm>> -> memref<2048xf32, #tpu.memory_space<hbm>>
      tpu.enqueue_dma source(%dma_start3A_24 : memref<2048xf32, #tpu.memory_space<hbm>>) target(%dma_start3A_23 : memref<2048xf32, #tpu.memory_space<vmem>>) target_semaphore(%run_scoped3A : memref<!tpu.dma_semaphore, #tpu.memory_space<semaphore_mem>>)
      %dma_wait3A = arith.constant 0 : i32
      %dma_wait3A_25 = tpu.memref_slice %arg6[%dma_wait3A] : memref<8192xf32, #tpu.memory_space<vmem>> -> memref<2048xf32, #tpu.memory_space<vmem>>
      %dma_wait3A_26 = tpu.memref_slice %arg2[%add3A_4] : memref<262144xf32, #tpu.memory_space<hbm>> -> memref<2048xf32, #tpu.memory_space<hbm>>
      %dma_wait3A_27 = arith.constant 0 : i32
      %dma_wait3A_28 = tpu.memref_slice %arg6[%dma_wait3A_27] : memref<8192xf32, #tpu.memory_space<vmem>> -> memref<2048xf32, #tpu.memory_space<vmem>>
      %dma_wait3A_29 = tpu.memref_slice %arg2[%add3A_4] : memref<262144xf32, #tpu.memory_space<hbm>> -> memref<2048xf32, #tpu.memory_space<hbm>>
      tpu.wait_dma2 semaphore(%run_scoped3A : memref<!tpu.dma_semaphore, #tpu.memory_space<semaphore_mem>>) src(%dma_wait3A_29 : memref<2048xf32, #tpu.memory_space<hbm>>) dst(%dma_wait3A_28 : memref<2048xf32, #tpu.memory_space<vmem>>)
      tpu.yield
    }) : () -> ()
    %add3A_5 = arith.constant 65536 : i32
    %add3A_6 = arith.addi %add3A_5, %mul3A_2 : i32
    "tpu.region"() ({
      %run_scoped3A = tpu.sem_alloc : memref<!tpu.dma_semaphore, #tpu.memory_space<semaphore_mem>>
      %dma_start3A = arith.constant 2048 : i32
      %dma_start3A_20 = tpu.memref_slice %arg6[%dma_start3A] : memref<8192xf32, #tpu.memory_space<vmem>> -> memref<2048xf32, #tpu.memory_space<vmem>>
      %dma_start3A_21 = tpu.memref_slice %arg2[%add3A_6] : memref<262144xf32, #tpu.memory_space<hbm>> -> memref<2048xf32, #tpu.memory_space<hbm>>
      %dma_start3A_22 = arith.constant 2048 : i32
      %dma_start3A_23 = tpu.memref_slice %arg6[%dma_start3A_22] : memref<8192xf32, #tpu.memory_space<vmem>> -> memref<2048xf32, #tpu.memory_space<vmem>>
      %dma_start3A_24 = tpu.memref_slice %arg2[%add3A_6] : memref<262144xf32, #tpu.memory_space<hbm>> -> memref<2048xf32, #tpu.memory_space<hbm>>
      tpu.enqueue_dma source(%dma_start3A_24 : memref<2048xf32, #tpu.memory_space<hbm>>) target(%dma_start3A_23 : memref<2048xf32, #tpu.memory_space<vmem>>) target_semaphore(%run_scoped3A : memref<!tpu.dma_semaphore, #tpu.memory_space<semaphore_mem>>)
      %dma_wait3A = arith.constant 2048 : i32
      %dma_wait3A_25 = tpu.memref_slice %arg6[%dma_wait3A] : memref<8192xf32, #tpu.memory_space<vmem>> -> memref<2048xf32, #tpu.memory_space<vmem>>
      %dma_wait3A_26 = tpu.memref_slice %arg2[%add3A_6] : memref<262144xf32, #tpu.memory_space<hbm>> -> memref<2048xf32, #tpu.memory_space<hbm>>
      %dma_wait3A_27 = arith.constant 2048 : i32
      %dma_wait3A_28 = tpu.memref_slice %arg6[%dma_wait3A_27] : memref<8192xf32, #tpu.memory_space<vmem>> -> memref<2048xf32, #tpu.memory_space<vmem>>
      %dma_wait3A_29 = tpu.memref_slice %arg2[%add3A_6] : memref<262144xf32, #tpu.memory_space<hbm>> -> memref<2048xf32, #tpu.memory_space<hbm>>
      tpu.wait_dma2 semaphore(%run_scoped3A : memref<!tpu.dma_semaphore, #tpu.memory_space<semaphore_mem>>) src(%dma_wait3A_29 : memref<2048xf32, #tpu.memory_space<hbm>>) dst(%dma_wait3A_28 : memref<2048xf32, #tpu.memory_space<vmem>>)
      tpu.yield
    }) : () -> ()
    %add3A_7 = arith.constant 131072 : i32
    %add3A_8 = arith.addi %add3A_7, %mul3A_2 : i32
    "tpu.region"() ({
      %run_scoped3A = tpu.sem_alloc : memref<!tpu.dma_semaphore, #tpu.memory_space<semaphore_mem>>
      %dma_start3A = arith.constant 4096 : i32
      %dma_start3A_20 = tpu.memref_slice %arg6[%dma_start3A] : memref<8192xf32, #tpu.memory_space<vmem>> -> memref<2048xf32, #tpu.memory_space<vmem>>
      %dma_start3A_21 = tpu.memref_slice %arg2[%add3A_8] : memref<262144xf32, #tpu.memory_space<hbm>> -> memref<2048xf32, #tpu.memory_space<hbm>>
      %dma_start3A_22 = arith.constant 4096 : i32
      %dma_start3A_23 = tpu.memref_slice %arg6[%dma_start3A_22] : memref<8192xf32, #tpu.memory_space<vmem>> -> memref<2048xf32, #tpu.memory_space<vmem>>
      %dma_start3A_24 = tpu.memref_slice %arg2[%add3A_8] : memref<262144xf32, #tpu.memory_space<hbm>> -> memref<2048xf32, #tpu.memory_space<hbm>>
      tpu.enqueue_dma source(%dma_start3A_24 : memref<2048xf32, #tpu.memory_space<hbm>>) target(%dma_start3A_23 : memref<2048xf32, #tpu.memory_space<vmem>>) target_semaphore(%run_scoped3A : memref<!tpu.dma_semaphore, #tpu.memory_space<semaphore_mem>>)
      %dma_wait3A = arith.constant 4096 : i32
      %dma_wait3A_25 = tpu.memref_slice %arg6[%dma_wait3A] : memref<8192xf32, #tpu.memory_space<vmem>> -> memref<2048xf32, #tpu.memory_space<vmem>>
      %dma_wait3A_26 = tpu.memref_slice %arg2[%add3A_8] : memref<262144xf32, #tpu.memory_space<hbm>> -> memref<2048xf32, #tpu.memory_space<hbm>>
      %dma_wait3A_27 = arith.constant 4096 : i32
      %dma_wait3A_28 = tpu.memref_slice %arg6[%dma_wait3A_27] : memref<8192xf32, #tpu.memory_space<vmem>> -> memref<2048xf32, #tpu.memory_space<vmem>>
      %dma_wait3A_29 = tpu.memref_slice %arg2[%add3A_8] : memref<262144xf32, #tpu.memory_space<hbm>> -> memref<2048xf32, #tpu.memory_space<hbm>>
      tpu.wait_dma2 semaphore(%run_scoped3A : memref<!tpu.dma_semaphore, #tpu.memory_space<semaphore_mem>>) src(%dma_wait3A_29 : memref<2048xf32, #tpu.memory_space<hbm>>) dst(%dma_wait3A_28 : memref<2048xf32, #tpu.memory_space<vmem>>)
      tpu.yield
    }) : () -> ()
    %add3A_9 = arith.constant 196608 : i32
    %add3A_10 = arith.addi %add3A_9, %mul3A_2 : i32
    "tpu.region"() ({
      %run_scoped3A = tpu.sem_alloc : memref<!tpu.dma_semaphore, #tpu.memory_space<semaphore_mem>>
      %dma_start3A = arith.constant 6144 : i32
      %dma_start3A_20 = tpu.memref_slice %arg6[%dma_start3A] : memref<8192xf32, #tpu.memory_space<vmem>> -> memref<2048xf32, #tpu.memory_space<vmem>>
      %dma_start3A_21 = tpu.memref_slice %arg2[%add3A_10] : memref<262144xf32, #tpu.memory_space<hbm>> -> memref<2048xf32, #tpu.memory_space<hbm>>
      %dma_start3A_22 = arith.constant 6144 : i32
      %dma_start3A_23 = tpu.memref_slice %arg6[%dma_start3A_22] : memref<8192xf32, #tpu.memory_space<vmem>> -> memref<2048xf32, #tpu.memory_space<vmem>>
      %dma_start3A_24 = tpu.memref_slice %arg2[%add3A_10] : memref<262144xf32, #tpu.memory_space<hbm>> -> memref<2048xf32, #tpu.memory_space<hbm>>
      tpu.enqueue_dma source(%dma_start3A_24 : memref<2048xf32, #tpu.memory_space<hbm>>) target(%dma_start3A_23 : memref<2048xf32, #tpu.memory_space<vmem>>) target_semaphore(%run_scoped3A : memref<!tpu.dma_semaphore, #tpu.memory_space<semaphore_mem>>)
      %dma_wait3A = arith.constant 6144 : i32
      %dma_wait3A_25 = tpu.memref_slice %arg6[%dma_wait3A] : memref<8192xf32, #tpu.memory_space<vmem>> -> memref<2048xf32, #tpu.memory_space<vmem>>
      %dma_wait3A_26 = tpu.memref_slice %arg2[%add3A_10] : memref<262144xf32, #tpu.memory_space<hbm>> -> memref<2048xf32, #tpu.memory_space<hbm>>
      %dma_wait3A_27 = arith.constant 6144 : i32
      %dma_wait3A_28 = tpu.memref_slice %arg6[%dma_wait3A_27] : memref<8192xf32, #tpu.memory_space<vmem>> -> memref<2048xf32, #tpu.memory_space<vmem>>
      %dma_wait3A_29 = tpu.memref_slice %arg2[%add3A_10] : memref<262144xf32, #tpu.memory_space<hbm>> -> memref<2048xf32, #tpu.memory_space<hbm>>
      tpu.wait_dma2 semaphore(%run_scoped3A : memref<!tpu.dma_semaphore, #tpu.memory_space<semaphore_mem>>) src(%dma_wait3A_29 : memref<2048xf32, #tpu.memory_space<hbm>>) dst(%dma_wait3A_28 : memref<2048xf32, #tpu.memory_space<vmem>>)
      tpu.yield
    }) : () -> ()
    "tpu.region"() ({
      %run_scoped3A = tpu.sem_alloc : memref<!tpu.dma_semaphore, #tpu.memory_space<semaphore_mem>>
      tpu.enqueue_dma source(%arg4 : memref<16xf32, #tpu.memory_space<hbm>>) target(%arg7 : memref<16xf32, #tpu.memory_space<vmem>>) target_semaphore(%run_scoped3A : memref<!tpu.dma_semaphore, #tpu.memory_space<semaphore_mem>>)
      tpu.wait_dma2 semaphore(%run_scoped3A : memref<!tpu.dma_semaphore, #tpu.memory_space<semaphore_mem>>) src(%arg4 : memref<16xf32, #tpu.memory_space<hbm>>) dst(%arg7 : memref<16xf32, #tpu.memory_space<vmem>>)
      tpu.yield
    }) : () -> ()
    %iota3A = tpu.iota {dimensions = array<i32: 0>} : vector<16xi32>
    %mul3A_11 = arith.constant 32 : i32
    %mul3A_12 = vector.broadcast %mul3A_11 : i32 to vector<16xi32>
    %mul3A_13 = arith.muli %iota3A, %mul3A_12 : vector<16xi32>
    %broadcast_in_dim3A = arith.constant 0 : i32
    %broadcast_in_dim3A_14 = vector.broadcast %broadcast_in_dim3A : i32 to vector<16xi32>
    %scan3A = arith.constant 0 : i32
    %scan3A_15 = arith.constant 0 : i32
    %scan3A_16 = arith.constant 2 : i32
    %scan3A_17 = arith.addi %scan3A_15, %scan3A_16 : i32
    %scan3A_18 = arith.constant 1 : i32
    scf.for %scan3A_20 = %scan3A_15 to %scan3A_17 step %scan3A_18  : i32 {
      %mul3A_21 = arith.constant 1024 : i32
      %mul3A_22 = arith.muli %scan3A_20, %mul3A_21 : i32
      %scan3A_23 = arith.constant 0 : i32
      %scan3A_24 = arith.constant 0 : i32
      %scan3A_25 = arith.constant 16 : i32
      %scan3A_26 = arith.addi %scan3A_24, %scan3A_25 : i32
      %scan3A_27 = arith.constant 1 : i32
      scf.for %scan3A_32 = %scan3A_24 to %scan3A_26 step %scan3A_27  : i32 {
        %add3A_33 = vector.broadcast %scan3A_32 : i32 to vector<16xi32>
        %add3A_34 = arith.addi %broadcast_in_dim3A_14, %add3A_33 : vector<16xi32>
        %gather3A = tpu.vector_load_idx %arg7[%add3A_34] : memref<16xf32, #tpu.memory_space<vmem>>[vector<16xi32>], vector<16xf32>,
        %mul3A_35 = arith.constant 1048576 : i32
        %mul3A_36 = arith.muli %scan3A_32, %mul3A_35 : i32
        %scan3A_37 = arith.constant 0 : i32
        %scan3A_38 = arith.constant 0 : i32
        %scan3A_39 = arith.constant 64 : i32
        %scan3A_40 = arith.addi %scan3A_38, %scan3A_39 : i32
        %scan3A_41 = arith.constant 1 : i32
        scf.for %scan3A_55 = %scan3A_38 to %scan3A_40 step %scan3A_41  : i32 {
          %mul3A_56 = arith.constant 16 : i32
          %mul3A_57 = arith.muli %scan3A_55, %mul3A_56 : i32
          %add3A_58 = arith.addi %mul3A_22, %mul3A_57 : i32
          %add3A_59 = arith.constant 0 : i32
          %add3A_60 = arith.addi %add3A_59, %add3A_58 : i32
          %get3A = arith.index_cast %add3A_60 : i32 to index
          %get3A_61 = tpu.vector_load %arg6[%get3A] {strides = array<i32>} : memref<8192xf32, #tpu.memory_space<vmem>>, vector<16xf32>,
          %mul3A_62 = arith.mulf %get3A_61, %gather3A : vector<16xf32>
          %convert_element_type3A = arith.fptosi %mul3A_62 : vector<16xf32> to vector<16xi32>
          %add3A_63 = arith.constant 1 : i32
          %add3A_64 = vector.broadcast %add3A_63 : i32 to vector<16xi32>
          %add3A_65 = arith.addi %convert_element_type3A, %add3A_64 : vector<16xi32>
          %add3A_66 = arith.constant 2048 : i32
          %add3A_67 = arith.addi %add3A_66, %add3A_58 : i32
          %get3A_68 = arith.index_cast %add3A_67 : i32 to index
          %get3A_69 = tpu.vector_load %arg6[%get3A_68] {strides = array<i32>} : memref<8192xf32, #tpu.memory_space<vmem>>, vector<16xf32>,
          %mul3A_70 = arith.mulf %get3A_69, %gather3A : vector<16xf32>
          %convert_element_type3A_71 = arith.fptosi %mul3A_70 : vector<16xf32> to vector<16xi32>
          %mul3A_72 = arith.constant -1640531535 : i32
          %mul3A_73 = vector.broadcast %mul3A_72 : i32 to vector<16xi32>
          %mul3A_74 = arith.muli %convert_element_type3A_71, %mul3A_73 : vector<16xi32>
          %add3A_75 = arith.constant -1640531535 : i32
          %add3A_76 = vector.broadcast %add3A_75 : i32 to vector<16xi32>
          %add3A_77 = arith.addi %mul3A_74, %add3A_76 : vector<16xi32>
          %add3A_78 = arith.constant 4096 : i32
          %add3A_79 = arith.addi %add3A_78, %add3A_58 : i32
          %get3A_80 = arith.index_cast %add3A_79 : i32 to index
          %get3A_81 = tpu.vector_load %arg6[%get3A_80] {strides = array<i32>} : memref<8192xf32, #tpu.memory_space<vmem>>, vector<16xf32>,
          %mul3A_82 = arith.mulf %get3A_81, %gather3A : vector<16xf32>
          %convert_element_type3A_83 = arith.fptosi %mul3A_82 : vector<16xf32> to vector<16xi32>
          %mul3A_84 = arith.constant 805459861 : i32
          %mul3A_85 = vector.broadcast %mul3A_84 : i32 to vector<16xi32>
          %mul3A_86 = arith.muli %convert_element_type3A_83, %mul3A_85 : vector<16xi32>
          %add3A_87 = arith.constant 805459861 : i32
          %add3A_88 = vector.broadcast %add3A_87 : i32 to vector<16xi32>
          %add3A_89 = arith.addi %mul3A_86, %add3A_88 : vector<16xi32>
          %add3A_90 = arith.constant 6144 : i32
          %add3A_91 = arith.addi %add3A_90, %add3A_58 : i32
          %get3A_92 = arith.index_cast %add3A_91 : i32 to index
          %get3A_93 = tpu.vector_load %arg6[%get3A_92] {strides = array<i32>} : memref<8192xf32, #tpu.memory_space<vmem>>, vector<16xf32>,
          %mul3A_94 = arith.mulf %get3A_93, %gather3A : vector<16xf32>
          %convert_element_type3A_95 = arith.fptosi %mul3A_94 : vector<16xf32> to vector<16xi32>
          %mul3A_96 = arith.constant -620313867 : i32
          %mul3A_97 = vector.broadcast %mul3A_96 : i32 to vector<16xi32>
          %mul3A_98 = arith.muli %convert_element_type3A_95, %mul3A_97 : vector<16xi32>
          %add3A_99 = arith.constant -620313867 : i32
          %add3A_100 = vector.broadcast %add3A_99 : i32 to vector<16xi32>
          %add3A_101 = arith.addi %mul3A_98, %add3A_100 : vector<16xi32>
          %mul3A_102 = arith.constant 16 : i32
          %mul3A_103 = arith.muli %scan3A_55, %mul3A_102 : i32
          %xor3A = arith.xori %convert_element_type3A, %mul3A_74 : vector<16xi32>
          %xor3A_104 = arith.xori %xor3A, %mul3A_86 : vector<16xi32>
          %xor3A_105 = arith.xori %xor3A_104, %mul3A_98 : vector<16xi32>
          %and3A = arith.constant 524287 : i32
          %and3A_106 = vector.broadcast %and3A : i32 to vector<16xi32>
          %and3A_107 = arith.andi %xor3A_105, %and3A_106 : vector<16xi32>
          %mul3A_108 = arith.constant 2 : i32
          %mul3A_109 = vector.broadcast %mul3A_108 : i32 to vector<16xi32>
          %mul3A_110 = arith.muli %and3A_107, %mul3A_109 : vector<16xi32>
          %add3A_111 = vector.broadcast %mul3A_36 : i32 to vector<16xi32>
          %add3A_112 = arith.addi %mul3A_110, %add3A_111 : vector<16xi32>
          %add3A_113 = arith.constant 0 : i32
          %add3A_114 = arith.addi %add3A_113, %mul3A_103 : i32
          %swap3A = arith.index_cast %add3A_114 : i32 to index
          %swap3A_115 = tpu.vector_load %arg8[%swap3A] {strides = array<i32>} : memref<16384xi32, #tpu.memory_space<vmem>>, vector<16xi32>,
          tpu.vector_store %arg8[%swap3A], %add3A_112 {strides = array<i32>} : memref<16384xi32, #tpu.memory_space<vmem>>, vector<16xi32>,
          %add3A_116 = arith.constant 1 : i32
          %add3A_117 = vector.broadcast %add3A_116 : i32 to vector<16xi32>
          %add3A_118 = arith.addi %add3A_112, %add3A_117 : vector<16xi32>
          %add3A_119 = arith.constant 0 : i32
          %add3A_120 = arith.addi %add3A_119, %mul3A_103 : i32
          %swap3A_121 = arith.index_cast %add3A_120 : i32 to index
          %swap3A_122 = tpu.vector_load %arg9[%swap3A_121] {strides = array<i32>} : memref<16384xi32, #tpu.memory_space<vmem>>, vector<16xi32>,
          tpu.vector_store %arg9[%swap3A_121], %add3A_118 {strides = array<i32>} : memref<16384xi32, #tpu.memory_space<vmem>>, vector<16xi32>,
          %xor3A_123 = arith.xori %add3A_65, %mul3A_74 : vector<16xi32>
          %xor3A_124 = arith.xori %xor3A_123, %mul3A_86 : vector<16xi32>
          %xor3A_125 = arith.xori %xor3A_124, %mul3A_98 : vector<16xi32>
          %and3A_126 = arith.constant 524287 : i32
          %and3A_127 = vector.broadcast %and3A_126 : i32 to vector<16xi32>
          %and3A_128 = arith.andi %xor3A_125, %and3A_127 : vector<16xi32>
          %mul3A_129 = arith.constant 2 : i32
          %mul3A_130 = vector.broadcast %mul3A_129 : i32 to vector<16xi32>
          %mul3A_131 = arith.muli %and3A_128, %mul3A_130 : vector<16xi32>
          %add3A_132 = vector.broadcast %mul3A_36 : i32 to vector<16xi32>
          %add3A_133 = arith.addi %mul3A_131, %add3A_132 : vector<16xi32>
          %add3A_134 = arith.constant 1024 : i32
          %add3A_135 = arith.addi %add3A_134, %mul3A_103 : i32
          %swap3A_136 = arith.index_cast %add3A_135 : i32 to index
          %swap3A_137 = tpu.vector_load %arg8[%swap3A_136] {strides = array<i32>} : memref<16384xi32, #tpu.memory_space<vmem>>, vector<16xi32>,
          tpu.vector_store %arg8[%swap3A_136], %add3A_133 {strides = array<i32>} : memref<16384xi32, #tpu.memory_space<vmem>>, vector<16xi32>,
          %add3A_138 = arith.constant 1 : i32
          %add3A_139 = vector.broadcast %add3A_138 : i32 to vector<16xi32>
          %add3A_140 = arith.addi %add3A_133, %add3A_139 : vector<16xi32>
          %add3A_141 = arith.constant 1024 : i32
          %add3A_142 = arith.addi %add3A_141, %mul3A_103 : i32
          %swap3A_143 = arith.index_cast %add3A_142 : i32 to index
          %swap3A_144 = tpu.vector_load %arg9[%swap3A_143] {strides = array<i32>} : memref<16384xi32, #tpu.memory_space<vmem>>, vector<16xi32>,
          tpu.vector_store %arg9[%swap3A_143], %add3A_140 {strides = array<i32>} : memref<16384xi32, #tpu.memory_space<vmem>>, vector<16xi32>,
          %xor3A_145 = arith.xori %convert_element_type3A, %add3A_77 : vector<16xi32>
          %xor3A_146 = arith.xori %xor3A_145, %mul3A_86 : vector<16xi32>
          %xor3A_147 = arith.xori %xor3A_146, %mul3A_98 : vector<16xi32>
          %and3A_148 = arith.constant 524287 : i32
          %and3A_149 = vector.broadcast %and3A_148 : i32 to vector<16xi32>
          %and3A_150 = arith.andi %xor3A_147, %and3A_149 : vector<16xi32>
          %mul3A_151 = arith.constant 2 : i32
          %mul3A_152 = vector.broadcast %mul3A_151 : i32 to vector<16xi32>
          %mul3A_153 = arith.muli %and3A_150, %mul3A_152 : vector<16xi32>
          %add3A_154 = vector.broadcast %mul3A_36 : i32 to vector<16xi32>
          %add3A_155 = arith.addi %mul3A_153, %add3A_154 : vector<16xi32>
          %add3A_156 = arith.constant 2048 : i32
          %add3A_157 = arith.addi %add3A_156, %mul3A_103 : i32
          %swap3A_158 = arith.index_cast %add3A_157 : i32 to index
          %swap3A_159 = tpu.vector_load %arg8[%swap3A_158] {strides = array<i32>} : memref<16384xi32, #tpu.memory_space<vmem>>, vector<16xi32>,
          tpu.vector_store %arg8[%swap3A_158], %add3A_155 {strides = array<i32>} : memref<16384xi32, #tpu.memory_space<vmem>>, vector<16xi32>,
          %add3A_160 = arith.constant 1 : i32
          %add3A_161 = vector.broadcast %add3A_160 : i32 to vector<16xi32>
          %add3A_162 = arith.addi %add3A_155, %add3A_161 : vector<16xi32>
          %add3A_163 = arith.constant 2048 : i32
          %add3A_164 = arith.addi %add3A_163, %mul3A_103 : i32
          %swap3A_165 = arith.index_cast %add3A_164 : i32 to index
          %swap3A_166 = tpu.vector_load %arg9[%swap3A_165] {strides = array<i32>} : memref<16384xi32, #tpu.memory_space<vmem>>, vector<16xi32>,
          tpu.vector_store %arg9[%swap3A_165], %add3A_162 {strides = array<i32>} : memref<16384xi32, #tpu.memory_space<vmem>>, vector<16xi32>,
          %xor3A_167 = arith.xori %add3A_65, %add3A_77 : vector<16xi32>
          %xor3A_168 = arith.xori %xor3A_167, %mul3A_86 : vector<16xi32>
          %xor3A_169 = arith.xori %xor3A_168, %mul3A_98 : vector<16xi32>
          %and3A_170 = arith.constant 524287 : i32
          %and3A_171 = vector.broadcast %and3A_170 : i32 to vector<16xi32>
          %and3A_172 = arith.andi %xor3A_169, %and3A_171 : vector<16xi32>
          %mul3A_173 = arith.constant 2 : i32
          %mul3A_174 = vector.broadcast %mul3A_173 : i32 to vector<16xi32>
          %mul3A_175 = arith.muli %and3A_172, %mul3A_174 : vector<16xi32>
          %add3A_176 = vector.broadcast %mul3A_36 : i32 to vector<16xi32>
          %add3A_177 = arith.addi %mul3A_175, %add3A_176 : vector<16xi32>
          %add3A_178 = arith.constant 3072 : i32
          %add3A_179 = arith.addi %add3A_178, %mul3A_103 : i32
          %swap3A_180 = arith.index_cast %add3A_179 : i32 to index
          %swap3A_181 = tpu.vector_load %arg8[%swap3A_180] {strides = array<i32>} : memref<16384xi32, #tpu.memory_space<vmem>>, vector<16xi32>,
          tpu.vector_store %arg8[%swap3A_180], %add3A_177 {strides = array<i32>} : memref<16384xi32, #tpu.memory_space<vmem>>, vector<16xi32>,
          %add3A_182 = arith.constant 1 : i32
          %add3A_183 = vector.broadcast %add3A_182 : i32 to vector<16xi32>
          %add3A_184 = arith.addi %add3A_177, %add3A_183 : vector<16xi32>
          %add3A_185 = arith.constant 3072 : i32
          %add3A_186 = arith.addi %add3A_185, %mul3A_103 : i32
          %swap3A_187 = arith.index_cast %add3A_186 : i32 to index
          %swap3A_188 = tpu.vector_load %arg9[%swap3A_187] {strides = array<i32>} : memref<16384xi32, #tpu.memory_space<vmem>>, vector<16xi32>,
          tpu.vector_store %arg9[%swap3A_187], %add3A_184 {strides = array<i32>} : memref<16384xi32, #tpu.memory_space<vmem>>, vector<16xi32>,
          %xor3A_189 = arith.xori %convert_element_type3A, %mul3A_74 : vector<16xi32>
          %xor3A_190 = arith.xori %xor3A_189, %add3A_89 : vector<16xi32>
          %xor3A_191 = arith.xori %xor3A_190, %mul3A_98 : vector<16xi32>
          %and3A_192 = arith.constant 524287 : i32
          %and3A_193 = vector.broadcast %and3A_192 : i32 to vector<16xi32>
          %and3A_194 = arith.andi %xor3A_191, %and3A_193 : vector<16xi32>
          %mul3A_195 = arith.constant 2 : i32
          %mul3A_196 = vector.broadcast %mul3A_195 : i32 to vector<16xi32>
          %mul3A_197 = arith.muli %and3A_194, %mul3A_196 : vector<16xi32>
          %add3A_198 = vector.broadcast %mul3A_36 : i32 to vector<16xi32>
          %add3A_199 = arith.addi %mul3A_197, %add3A_198 : vector<16xi32>
          %add3A_200 = arith.constant 4096 : i32
          %add3A_201 = arith.addi %add3A_200, %mul3A_103 : i32
          %swap3A_202 = arith.index_cast %add3A_201 : i32 to index
          %swap3A_203 = tpu.vector_load %arg8[%swap3A_202] {strides = array<i32>} : memref<16384xi32, #tpu.memory_space<vmem>>, vector<16xi32>,
          tpu.vector_store %arg8[%swap3A_202], %add3A_199 {strides = array<i32>} : memref<16384xi32, #tpu.memory_space<vmem>>, vector<16xi32>,
          %add3A_204 = arith.constant 1 : i32
          %add3A_205 = vector.broadcast %add3A_204 : i32 to vector<16xi32>
          %add3A_206 = arith.addi %add3A_199, %add3A_205 : vector<16xi32>
          %add3A_207 = arith.constant 4096 : i32
          %add3A_208 = arith.addi %add3A_207, %mul3A_103 : i32
          %swap3A_209 = arith.index_cast %add3A_208 : i32 to index
          %swap3A_210 = tpu.vector_load %arg9[%swap3A_209] {strides = array<i32>} : memref<16384xi32, #tpu.memory_space<vmem>>, vector<16xi32>,
          tpu.vector_store %arg9[%swap3A_209], %add3A_206 {strides = array<i32>} : memref<16384xi32, #tpu.memory_space<vmem>>, vector<16xi32>,
          %xor3A_211 = arith.xori %add3A_65, %mul3A_74 : vector<16xi32>
          %xor3A_212 = arith.xori %xor3A_211, %add3A_89 : vector<16xi32>
          %xor3A_213 = arith.xori %xor3A_212, %mul3A_98 : vector<16xi32>
          %and3A_214 = arith.constant 524287 : i32
          %and3A_215 = vector.broadcast %and3A_214 : i32 to vector<16xi32>
          %and3A_216 = arith.andi %xor3A_213, %and3A_215 : vector<16xi32>
          %mul3A_217 = arith.constant 2 : i32
          %mul3A_218 = vector.broadcast %mul3A_217 : i32 to vector<16xi32>
          %mul3A_219 = arith.muli %and3A_216, %mul3A_218 : vector<16xi32>
          %add3A_220 = vector.broadcast %mul3A_36 : i32 to vector<16xi32>
          %add3A_221 = arith.addi %mul3A_219, %add3A_220 : vector<16xi32>
          %add3A_222 = arith.constant 5120 : i32
          %add3A_223 = arith.addi %add3A_222, %mul3A_103 : i32
          %swap3A_224 = arith.index_cast %add3A_223 : i32 to index
          %swap3A_225 = tpu.vector_load %arg8[%swap3A_224] {strides = array<i32>} : memref<16384xi32, #tpu.memory_space<vmem>>, vector<16xi32>,
          tpu.vector_store %arg8[%swap3A_224], %add3A_221 {strides = array<i32>} : memref<16384xi32, #tpu.memory_space<vmem>>, vector<16xi32>,
          %add3A_226 = arith.constant 1 : i32
          %add3A_227 = vector.broadcast %add3A_226 : i32 to vector<16xi32>
          %add3A_228 = arith.addi %add3A_221, %add3A_227 : vector<16xi32>
          %add3A_229 = arith.constant 5120 : i32
          %add3A_230 = arith.addi %add3A_229, %mul3A_103 : i32
          %swap3A_231 = arith.index_cast %add3A_230 : i32 to index
          %swap3A_232 = tpu.vector_load %arg9[%swap3A_231] {strides = array<i32>} : memref<16384xi32, #tpu.memory_space<vmem>>, vector<16xi32>,
          tpu.vector_store %arg9[%swap3A_231], %add3A_228 {strides = array<i32>} : memref<16384xi32, #tpu.memory_space<vmem>>, vector<16xi32>,
          %xor3A_233 = arith.xori %convert_element_type3A, %add3A_77 : vector<16xi32>
          %xor3A_234 = arith.xori %xor3A_233, %add3A_89 : vector<16xi32>
          %xor3A_235 = arith.xori %xor3A_234, %mul3A_98 : vector<16xi32>
          %and3A_236 = arith.constant 524287 : i32
          %and3A_237 = vector.broadcast %and3A_236 : i32 to vector<16xi32>
          %and3A_238 = arith.andi %xor3A_235, %and3A_237 : vector<16xi32>
          %mul3A_239 = arith.constant 2 : i32
          %mul3A_240 = vector.broadcast %mul3A_239 : i32 to vector<16xi32>
          %mul3A_241 = arith.muli %and3A_238, %mul3A_240 : vector<16xi32>
          %add3A_242 = vector.broadcast %mul3A_36 : i32 to vector<16xi32>
          %add3A_243 = arith.addi %mul3A_241, %add3A_242 : vector<16xi32>
          %add3A_244 = arith.constant 6144 : i32
          %add3A_245 = arith.addi %add3A_244, %mul3A_103 : i32
          %swap3A_246 = arith.index_cast %add3A_245 : i32 to index
          %swap3A_247 = tpu.vector_load %arg8[%swap3A_246] {strides = array<i32>} : memref<16384xi32, #tpu.memory_space<vmem>>, vector<16xi32>,
          tpu.vector_store %arg8[%swap3A_246], %add3A_243 {strides = array<i32>} : memref<16384xi32, #tpu.memory_space<vmem>>, vector<16xi32>,
          %add3A_248 = arith.constant 1 : i32
          %add3A_249 = vector.broadcast %add3A_248 : i32 to vector<16xi32>
          %add3A_250 = arith.addi %add3A_243, %add3A_249 : vector<16xi32>
          %add3A_251 = arith.constant 6144 : i32
          %add3A_252 = arith.addi %add3A_251, %mul3A_103 : i32
          %swap3A_253 = arith.index_cast %add3A_252 : i32 to index
          %swap3A_254 = tpu.vector_load %arg9[%swap3A_253] {strides = array<i32>} : memref<16384xi32, #tpu.memory_space<vmem>>, vector<16xi32>,
          tpu.vector_store %arg9[%swap3A_253], %add3A_250 {strides = array<i32>} : memref<16384xi32, #tpu.memory_space<vmem>>, vector<16xi32>,
          %xor3A_255 = arith.xori %add3A_65, %add3A_77 : vector<16xi32>
          %xor3A_256 = arith.xori %xor3A_255, %add3A_89 : vector<16xi32>
          %xor3A_257 = arith.xori %xor3A_256, %mul3A_98 : vector<16xi32>
          %and3A_258 = arith.constant 524287 : i32
          %and3A_259 = vector.broadcast %and3A_258 : i32 to vector<16xi32>
          %and3A_260 = arith.andi %xor3A_257, %and3A_259 : vector<16xi32>
          %mul3A_261 = arith.constant 2 : i32
          %mul3A_262 = vector.broadcast %mul3A_261 : i32 to vector<16xi32>
          %mul3A_263 = arith.muli %and3A_260, %mul3A_262 : vector<16xi32>
          %add3A_264 = vector.broadcast %mul3A_36 : i32 to vector<16xi32>
          %add3A_265 = arith.addi %mul3A_263, %add3A_264 : vector<16xi32>
          %add3A_266 = arith.constant 7168 : i32
          %add3A_267 = arith.addi %add3A_266, %mul3A_103 : i32
          %swap3A_268 = arith.index_cast %add3A_267 : i32 to index
          %swap3A_269 = tpu.vector_load %arg8[%swap3A_268] {strides = array<i32>} : memref<16384xi32, #tpu.memory_space<vmem>>, vector<16xi32>,
          tpu.vector_store %arg8[%swap3A_268], %add3A_265 {strides = array<i32>} : memref<16384xi32, #tpu.memory_space<vmem>>, vector<16xi32>,
          %add3A_270 = arith.constant 1 : i32
          %add3A_271 = vector.broadcast %add3A_270 : i32 to vector<16xi32>
          %add3A_272 = arith.addi %add3A_265, %add3A_271 : vector<16xi32>
          %add3A_273 = arith.constant 7168 : i32
          %add3A_274 = arith.addi %add3A_273, %mul3A_103 : i32
          %swap3A_275 = arith.index_cast %add3A_274 : i32 to index
          %swap3A_276 = tpu.vector_load %arg9[%swap3A_275] {strides = array<i32>} : memref<16384xi32, #tpu.memory_space<vmem>>, vector<16xi32>,
          tpu.vector_store %arg9[%swap3A_275], %add3A_272 {strides = array<i32>} : memref<16384xi32, #tpu.memory_space<vmem>>, vector<16xi32>,
          %xor3A_277 = arith.xori %convert_element_type3A, %mul3A_74 : vector<16xi32>
          %xor3A_278 = arith.xori %xor3A_277, %mul3A_86 : vector<16xi32>
          %xor3A_279 = arith.xori %xor3A_278, %add3A_101 : vector<16xi32>
          %and3A_280 = arith.constant 524287 : i32
          %and3A_281 = vector.broadcast %and3A_280 : i32 to vector<16xi32>
          %and3A_282 = arith.andi %xor3A_279, %and3A_281 : vector<16xi32>
          %mul3A_283 = arith.constant 2 : i32
          %mul3A_284 = vector.broadcast %mul3A_283 : i32 to vector<16xi32>
          %mul3A_285 = arith.muli %and3A_282, %mul3A_284 : vector<16xi32>
          %add3A_286 = vector.broadcast %mul3A_36 : i32 to vector<16xi32>
          %add3A_287 = arith.addi %mul3A_285, %add3A_286 : vector<16xi32>
          %add3A_288 = arith.constant 8192 : i32
          %add3A_289 = arith.addi %add3A_288, %mul3A_103 : i32
          %swap3A_290 = arith.index_cast %add3A_289 : i32 to index
          %swap3A_291 = tpu.vector_load %arg8[%swap3A_290] {strides = array<i32>} : memref<16384xi32, #tpu.memory_space<vmem>>, vector<16xi32>,
          tpu.vector_store %arg8[%swap3A_290], %add3A_287 {strides = array<i32>} : memref<16384xi32, #tpu.memory_space<vmem>>, vector<16xi32>,
          %add3A_292 = arith.constant 1 : i32
          %add3A_293 = vector.broadcast %add3A_292 : i32 to vector<16xi32>
          %add3A_294 = arith.addi %add3A_287, %add3A_293 : vector<16xi32>
          %add3A_295 = arith.constant 8192 : i32
          %add3A_296 = arith.addi %add3A_295, %mul3A_103 : i32
          %swap3A_297 = arith.index_cast %add3A_296 : i32 to index
          %swap3A_298 = tpu.vector_load %arg9[%swap3A_297] {strides = array<i32>} : memref<16384xi32, #tpu.memory_space<vmem>>, vector<16xi32>,
          tpu.vector_store %arg9[%swap3A_297], %add3A_294 {strides = array<i32>} : memref<16384xi32, #tpu.memory_space<vmem>>, vector<16xi32>,
          %xor3A_299 = arith.xori %add3A_65, %mul3A_74 : vector<16xi32>
          %xor3A_300 = arith.xori %xor3A_299, %mul3A_86 : vector<16xi32>
          %xor3A_301 = arith.xori %xor3A_300, %add3A_101 : vector<16xi32>
          %and3A_302 = arith.constant 524287 : i32
          %and3A_303 = vector.broadcast %and3A_302 : i32 to vector<16xi32>
          %and3A_304 = arith.andi %xor3A_301, %and3A_303 : vector<16xi32>
          %mul3A_305 = arith.constant 2 : i32
          %mul3A_306 = vector.broadcast %mul3A_305 : i32 to vector<16xi32>
          %mul3A_307 = arith.muli %and3A_304, %mul3A_306 : vector<16xi32>
          %add3A_308 = vector.broadcast %mul3A_36 : i32 to vector<16xi32>
          %add3A_309 = arith.addi %mul3A_307, %add3A_308 : vector<16xi32>
          %add3A_310 = arith.constant 9216 : i32
          %add3A_311 = arith.addi %add3A_310, %mul3A_103 : i32
          %swap3A_312 = arith.index_cast %add3A_311 : i32 to index
          %swap3A_313 = tpu.vector_load %arg8[%swap3A_312] {strides = array<i32>} : memref<16384xi32, #tpu.memory_space<vmem>>, vector<16xi32>,
          tpu.vector_store %arg8[%swap3A_312], %add3A_309 {strides = array<i32>} : memref<16384xi32, #tpu.memory_space<vmem>>, vector<16xi32>,
          %add3A_314 = arith.constant 1 : i32
          %add3A_315 = vector.broadcast %add3A_314 : i32 to vector<16xi32>
          %add3A_316 = arith.addi %add3A_309, %add3A_315 : vector<16xi32>
          %add3A_317 = arith.constant 9216 : i32
          %add3A_318 = arith.addi %add3A_317, %mul3A_103 : i32
          %swap3A_319 = arith.index_cast %add3A_318 : i32 to index
          %swap3A_320 = tpu.vector_load %arg9[%swap3A_319] {strides = array<i32>} : memref<16384xi32, #tpu.memory_space<vmem>>, vector<16xi32>,
          tpu.vector_store %arg9[%swap3A_319], %add3A_316 {strides = array<i32>} : memref<16384xi32, #tpu.memory_space<vmem>>, vector<16xi32>,
          %xor3A_321 = arith.xori %convert_element_type3A, %add3A_77 : vector<16xi32>
          %xor3A_322 = arith.xori %xor3A_321, %mul3A_86 : vector<16xi32>
          %xor3A_323 = arith.xori %xor3A_322, %add3A_101 : vector<16xi32>
          %and3A_324 = arith.constant 524287 : i32
          %and3A_325 = vector.broadcast %and3A_324 : i32 to vector<16xi32>
          %and3A_326 = arith.andi %xor3A_323, %and3A_325 : vector<16xi32>
          %mul3A_327 = arith.constant 2 : i32
          %mul3A_328 = vector.broadcast %mul3A_327 : i32 to vector<16xi32>
          %mul3A_329 = arith.muli %and3A_326, %mul3A_328 : vector<16xi32>
          %add3A_330 = vector.broadcast %mul3A_36 : i32 to vector<16xi32>
          %add3A_331 = arith.addi %mul3A_329, %add3A_330 : vector<16xi32>
          %add3A_332 = arith.constant 10240 : i32
          %add3A_333 = arith.addi %add3A_332, %mul3A_103 : i32
          %swap3A_334 = arith.index_cast %add3A_333 : i32 to index
          %swap3A_335 = tpu.vector_load %arg8[%swap3A_334] {strides = array<i32>} : memref<16384xi32, #tpu.memory_space<vmem>>, vector<16xi32>,
          tpu.vector_store %arg8[%swap3A_334], %add3A_331 {strides = array<i32>} : memref<16384xi32, #tpu.memory_space<vmem>>, vector<16xi32>,
          %add3A_336 = arith.constant 1 : i32
          %add3A_337 = vector.broadcast %add3A_336 : i32 to vector<16xi32>
          %add3A_338 = arith.addi %add3A_331, %add3A_337 : vector<16xi32>
          %add3A_339 = arith.constant 10240 : i32
          %add3A_340 = arith.addi %add3A_339, %mul3A_103 : i32
          %swap3A_341 = arith.index_cast %add3A_340 : i32 to index
          %swap3A_342 = tpu.vector_load %arg9[%swap3A_341] {strides = array<i32>} : memref<16384xi32, #tpu.memory_space<vmem>>, vector<16xi32>,
          tpu.vector_store %arg9[%swap3A_341], %add3A_338 {strides = array<i32>} : memref<16384xi32, #tpu.memory_space<vmem>>, vector<16xi32>,
          %xor3A_343 = arith.xori %add3A_65, %add3A_77 : vector<16xi32>
          %xor3A_344 = arith.xori %xor3A_343, %mul3A_86 : vector<16xi32>
          %xor3A_345 = arith.xori %xor3A_344, %add3A_101 : vector<16xi32>
          %and3A_346 = arith.constant 524287 : i32
          %and3A_347 = vector.broadcast %and3A_346 : i32 to vector<16xi32>
          %and3A_348 = arith.andi %xor3A_345, %and3A_347 : vector<16xi32>
          %mul3A_349 = arith.constant 2 : i32
          %mul3A_350 = vector.broadcast %mul3A_349 : i32 to vector<16xi32>
          %mul3A_351 = arith.muli %and3A_348, %mul3A_350 : vector<16xi32>
          %add3A_352 = vector.broadcast %mul3A_36 : i32 to vector<16xi32>
          %add3A_353 = arith.addi %mul3A_351, %add3A_352 : vector<16xi32>
          %add3A_354 = arith.constant 11264 : i32
          %add3A_355 = arith.addi %add3A_354, %mul3A_103 : i32
          %swap3A_356 = arith.index_cast %add3A_355 : i32 to index
          %swap3A_357 = tpu.vector_load %arg8[%swap3A_356] {strides = array<i32>} : memref<16384xi32, #tpu.memory_space<vmem>>, vector<16xi32>,
          tpu.vector_store %arg8[%swap3A_356], %add3A_353 {strides = array<i32>} : memref<16384xi32, #tpu.memory_space<vmem>>, vector<16xi32>,
          %add3A_358 = arith.constant 1 : i32
          %add3A_359 = vector.broadcast %add3A_358 : i32 to vector<16xi32>
          %add3A_360 = arith.addi %add3A_353, %add3A_359 : vector<16xi32>
          %add3A_361 = arith.constant 11264 : i32
          %add3A_362 = arith.addi %add3A_361, %mul3A_103 : i32
          %swap3A_363 = arith.index_cast %add3A_362 : i32 to index
          %swap3A_364 = tpu.vector_load %arg9[%swap3A_363] {strides = array<i32>} : memref<16384xi32, #tpu.memory_space<vmem>>, vector<16xi32>,
          tpu.vector_store %arg9[%swap3A_363], %add3A_360 {strides = array<i32>} : memref<16384xi32, #tpu.memory_space<vmem>>, vector<16xi32>,
          %xor3A_365 = arith.xori %convert_element_type3A, %mul3A_74 : vector<16xi32>
          %xor3A_366 = arith.xori %xor3A_365, %add3A_89 : vector<16xi32>
          %xor3A_367 = arith.xori %xor3A_366, %add3A_101 : vector<16xi32>
          %and3A_368 = arith.constant 524287 : i32
          %and3A_369 = vector.broadcast %and3A_368 : i32 to vector<16xi32>
          %and3A_370 = arith.andi %xor3A_367, %and3A_369 : vector<16xi32>
          %mul3A_371 = arith.constant 2 : i32
          %mul3A_372 = vector.broadcast %mul3A_371 : i32 to vector<16xi32>
          %mul3A_373 = arith.muli %and3A_370, %mul3A_372 : vector<16xi32>
          %add3A_374 = vector.broadcast %mul3A_36 : i32 to vector<16xi32>
          %add3A_375 = arith.addi %mul3A_373, %add3A_374 : vector<16xi32>
          %add3A_376 = arith.constant 12288 : i32
          %add3A_377 = arith.addi %add3A_376, %mul3A_103 : i32
          %swap3A_378 = arith.index_cast %add3A_377 : i32 to index
          %swap3A_379 = tpu.vector_load %arg8[%swap3A_378] {strides = array<i32>} : memref<16384xi32, #tpu.memory_space<vmem>>, vector<16xi32>,
          tpu.vector_store %arg8[%swap3A_378], %add3A_375 {strides = array<i32>} : memref<16384xi32, #tpu.memory_space<vmem>>, vector<16xi32>,
          %add3A_380 = arith.constant 1 : i32
          %add3A_381 = vector.broadcast %add3A_380 : i32 to vector<16xi32>
          %add3A_382 = arith.addi %add3A_375, %add3A_381 : vector<16xi32>
          %add3A_383 = arith.constant 12288 : i32
          %add3A_384 = arith.addi %add3A_383, %mul3A_103 : i32
          %swap3A_385 = arith.index_cast %add3A_384 : i32 to index
          %swap3A_386 = tpu.vector_load %arg9[%swap3A_385] {strides = array<i32>} : memref<16384xi32, #tpu.memory_space<vmem>>, vector<16xi32>,
          tpu.vector_store %arg9[%swap3A_385], %add3A_382 {strides = array<i32>} : memref<16384xi32, #tpu.memory_space<vmem>>, vector<16xi32>,
          %xor3A_387 = arith.xori %add3A_65, %mul3A_74 : vector<16xi32>
          %xor3A_388 = arith.xori %xor3A_387, %add3A_89 : vector<16xi32>
          %xor3A_389 = arith.xori %xor3A_388, %add3A_101 : vector<16xi32>
          %and3A_390 = arith.constant 524287 : i32
          %and3A_391 = vector.broadcast %and3A_390 : i32 to vector<16xi32>
          %and3A_392 = arith.andi %xor3A_389, %and3A_391 : vector<16xi32>
          %mul3A_393 = arith.constant 2 : i32
          %mul3A_394 = vector.broadcast %mul3A_393 : i32 to vector<16xi32>
          %mul3A_395 = arith.muli %and3A_392, %mul3A_394 : vector<16xi32>
          %add3A_396 = vector.broadcast %mul3A_36 : i32 to vector<16xi32>
          %add3A_397 = arith.addi %mul3A_395, %add3A_396 : vector<16xi32>
          %add3A_398 = arith.constant 13312 : i32
          %add3A_399 = arith.addi %add3A_398, %mul3A_103 : i32
          %swap3A_400 = arith.index_cast %add3A_399 : i32 to index
          %swap3A_401 = tpu.vector_load %arg8[%swap3A_400] {strides = array<i32>} : memref<16384xi32, #tpu.memory_space<vmem>>, vector<16xi32>,
          tpu.vector_store %arg8[%swap3A_400], %add3A_397 {strides = array<i32>} : memref<16384xi32, #tpu.memory_space<vmem>>, vector<16xi32>,
          %add3A_402 = arith.constant 1 : i32
          %add3A_403 = vector.broadcast %add3A_402 : i32 to vector<16xi32>
          %add3A_404 = arith.addi %add3A_397, %add3A_403 : vector<16xi32>
          %add3A_405 = arith.constant 13312 : i32
          %add3A_406 = arith.addi %add3A_405, %mul3A_103 : i32
          %swap3A_407 = arith.index_cast %add3A_406 : i32 to index
          %swap3A_408 = tpu.vector_load %arg9[%swap3A_407] {strides = array<i32>} : memref<16384xi32, #tpu.memory_space<vmem>>, vector<16xi32>,
          tpu.vector_store %arg9[%swap3A_407], %add3A_404 {strides = array<i32>} : memref<16384xi32, #tpu.memory_space<vmem>>, vector<16xi32>,
          %xor3A_409 = arith.xori %convert_element_type3A, %add3A_77 : vector<16xi32>
          %xor3A_410 = arith.xori %xor3A_409, %add3A_89 : vector<16xi32>
          %xor3A_411 = arith.xori %xor3A_410, %add3A_101 : vector<16xi32>
          %and3A_412 = arith.constant 524287 : i32
          %and3A_413 = vector.broadcast %and3A_412 : i32 to vector<16xi32>
          %and3A_414 = arith.andi %xor3A_411, %and3A_413 : vector<16xi32>
          %mul3A_415 = arith.constant 2 : i32
          %mul3A_416 = vector.broadcast %mul3A_415 : i32 to vector<16xi32>
          %mul3A_417 = arith.muli %and3A_414, %mul3A_416 : vector<16xi32>
          %add3A_418 = vector.broadcast %mul3A_36 : i32 to vector<16xi32>
          %add3A_419 = arith.addi %mul3A_417, %add3A_418 : vector<16xi32>
          %add3A_420 = arith.constant 14336 : i32
          %add3A_421 = arith.addi %add3A_420, %mul3A_103 : i32
          %swap3A_422 = arith.index_cast %add3A_421 : i32 to index
          %swap3A_423 = tpu.vector_load %arg8[%swap3A_422] {strides = array<i32>} : memref<16384xi32, #tpu.memory_space<vmem>>, vector<16xi32>,
          tpu.vector_store %arg8[%swap3A_422], %add3A_419 {strides = array<i32>} : memref<16384xi32, #tpu.memory_space<vmem>>, vector<16xi32>,
          %add3A_424 = arith.constant 1 : i32
          %add3A_425 = vector.broadcast %add3A_424 : i32 to vector<16xi32>
          %add3A_426 = arith.addi %add3A_419, %add3A_425 : vector<16xi32>
          %add3A_427 = arith.constant 14336 : i32
          %add3A_428 = arith.addi %add3A_427, %mul3A_103 : i32
          %swap3A_429 = arith.index_cast %add3A_428 : i32 to index
          %swap3A_430 = tpu.vector_load %arg9[%swap3A_429] {strides = array<i32>} : memref<16384xi32, #tpu.memory_space<vmem>>, vector<16xi32>,
          tpu.vector_store %arg9[%swap3A_429], %add3A_426 {strides = array<i32>} : memref<16384xi32, #tpu.memory_space<vmem>>, vector<16xi32>,
          %xor3A_431 = arith.xori %add3A_65, %add3A_77 : vector<16xi32>
          %xor3A_432 = arith.xori %xor3A_431, %add3A_89 : vector<16xi32>
          %xor3A_433 = arith.xori %xor3A_432, %add3A_101 : vector<16xi32>
          %and3A_434 = arith.constant 524287 : i32
          %and3A_435 = vector.broadcast %and3A_434 : i32 to vector<16xi32>
          %and3A_436 = arith.andi %xor3A_433, %and3A_435 : vector<16xi32>
          %mul3A_437 = arith.constant 2 : i32
          %mul3A_438 = vector.broadcast %mul3A_437 : i32 to vector<16xi32>
          %mul3A_439 = arith.muli %and3A_436, %mul3A_438 : vector<16xi32>
          %add3A_440 = vector.broadcast %mul3A_36 : i32 to vector<16xi32>
          %add3A_441 = arith.addi %mul3A_439, %add3A_440 : vector<16xi32>
          %add3A_442 = arith.constant 15360 : i32
          %add3A_443 = arith.addi %add3A_442, %mul3A_103 : i32
          %swap3A_444 = arith.index_cast %add3A_443 : i32 to index
          %swap3A_445 = tpu.vector_load %arg8[%swap3A_444] {strides = array<i32>} : memref<16384xi32, #tpu.memory_space<vmem>>, vector<16xi32>,
          tpu.vector_store %arg8[%swap3A_444], %add3A_441 {strides = array<i32>} : memref<16384xi32, #tpu.memory_space<vmem>>, vector<16xi32>,
          %add3A_446 = arith.constant 1 : i32
          %add3A_447 = vector.broadcast %add3A_446 : i32 to vector<16xi32>
          %add3A_448 = arith.addi %add3A_441, %add3A_447 : vector<16xi32>
          %add3A_449 = arith.constant 15360 : i32
          %add3A_450 = arith.addi %add3A_449, %mul3A_103 : i32
          %swap3A_451 = arith.index_cast %add3A_450 : i32 to index
          %swap3A_452 = tpu.vector_load %arg9[%swap3A_451] {strides = array<i32>} : memref<16384xi32, #tpu.memory_space<vmem>>, vector<16xi32>,
          tpu.vector_store %arg9[%swap3A_451], %add3A_448 {strides = array<i32>} : memref<16384xi32, #tpu.memory_space<vmem>>, vector<16xi32>,
        }
        %scan3A_42 = arith.constant 64 : i32
        %dma_start3A = arith.constant 0 : i32
        %dma_start3A_43 = tpu.memref_slice %arg3[%dma_start3A] : memref<16777216xf32, #tpu.memory_space<hbm>> -> memref<16777216xf32, #tpu.memory_space<hbm>>
        tpu.enqueue_indirect_dma source(%dma_start3A_43 : memref<16777216xf32, #tpu.memory_space<hbm>>) target(%arg10 : memref<16384xf32, #tpu.memory_space<vmem>>) offsets(%arg8 : memref<16384xi32, #tpu.memory_space<vmem>>) semaphore(%arg13 : memref<!tpu.dma_semaphore, #tpu.memory_space<semaphore_mem>>)
        %dma_start3A_44 = arith.constant 0 : i32
        %dma_start3A_45 = tpu.memref_slice %arg3[%dma_start3A_44] : memref<16777216xf32, #tpu.memory_space<hbm>> -> memref<16777216xf32, #tpu.memory_space<hbm>>
        tpu.enqueue_indirect_dma source(%dma_start3A_45 : memref<16777216xf32, #tpu.memory_space<hbm>>) target(%arg11 : memref<16384xf32, #tpu.memory_space<vmem>>) offsets(%arg9 : memref<16384xi32, #tpu.memory_space<vmem>>) semaphore(%arg14 : memref<!tpu.dma_semaphore, #tpu.memory_space<semaphore_mem>>)
        %dma_wait3A = arith.constant 0 : i32
        %dma_wait3A_46 = tpu.memref_slice %arg3[%dma_wait3A] : memref<16777216xf32, #tpu.memory_space<hbm>> -> memref<16777216xf32, #tpu.memory_space<hbm>>
        tpu.wait_indirect_dma semaphore(%arg13 : memref<!tpu.dma_semaphore, #tpu.memory_space<semaphore_mem>>) src(%dma_wait3A_46 : memref<16777216xf32, #tpu.memory_space<hbm>>) dst(%arg10 : memref<16384xf32, #tpu.memory_space<vmem>>)
        %dma_wait3A_47 = arith.constant 0 : i32
        %dma_wait3A_48 = tpu.memref_slice %arg3[%dma_wait3A_47] : memref<16777216xf32, #tpu.memory_space<hbm>> -> memref<16777216xf32, #tpu.memory_space<hbm>>
        tpu.wait_indirect_dma semaphore(%arg14 : memref<!tpu.dma_semaphore, #tpu.memory_space<semaphore_mem>>) src(%dma_wait3A_48 : memref<16777216xf32, #tpu.memory_space<hbm>>) dst(%arg11 : memref<16384xf32, #tpu.memory_space<vmem>>)
        %scan3A_49 = arith.constant 0 : i32
        %scan3A_50 = arith.constant 0 : i32
        %scan3A_51 = arith.constant 64 : i32
        %scan3A_52 = arith.addi %scan3A_50, %scan3A_51 : i32
        %scan3A_53 = arith.constant 1 : i32
        scf.for %scan3A_55 = %scan3A_50 to %scan3A_52 step %scan3A_53  : i32 {
          %mul3A_56 = arith.constant 16 : i32
          %mul3A_57 = arith.muli %scan3A_55, %mul3A_56 : i32
          %add3A_58 = arith.addi %mul3A_22, %mul3A_57 : i32
          %add3A_59 = arith.constant 0 : i32
          %add3A_60 = arith.addi %add3A_59, %add3A_58 : i32
          %get3A = arith.index_cast %add3A_60 : i32 to index
          %get3A_61 = tpu.vector_load %arg6[%get3A] {strides = array<i32>} : memref<8192xf32, #tpu.memory_space<vmem>>, vector<16xf32>,
          %mul3A_62 = arith.mulf %get3A_61, %gather3A : vector<16xf32>
          %convert_element_type3A = arith.fptosi %mul3A_62 : vector<16xf32> to vector<16xi32>
          %convert_element_type3A_63 = arith.sitofp %convert_element_type3A : vector<16xi32> to vector<16xf32>
          %sub3A = arith.subf %mul3A_62, %convert_element_type3A_63 : vector<16xf32>
          %sub3A_64 = arith.constant 1.000000e+00 : f32
          %sub3A_65 = vector.broadcast %sub3A_64 : f32 to vector<16xf32>
          %sub3A_66 = arith.subf %sub3A_65, %sub3A : vector<16xf32>
          %add3A_67 = arith.constant 2048 : i32
          %add3A_68 = arith.addi %add3A_67, %add3A_58 : i32
          %get3A_69 = arith.index_cast %add3A_68 : i32 to index
          %get3A_70 = tpu.vector_load %arg6[%get3A_69] {strides = array<i32>} : memref<8192xf32, #tpu.memory_space<vmem>>, vector<16xf32>,
          %mul3A_71 = arith.mulf %get3A_70, %gather3A : vector<16xf32>
          %convert_element_type3A_72 = arith.fptosi %mul3A_71 : vector<16xf32> to vector<16xi32>
          %convert_element_type3A_73 = arith.sitofp %convert_element_type3A_72 : vector<16xi32> to vector<16xf32>
          %sub3A_74 = arith.subf %mul3A_71, %convert_element_type3A_73 : vector<16xf32>
          %sub3A_75 = arith.constant 1.000000e+00 : f32
          %sub3A_76 = vector.broadcast %sub3A_75 : f32 to vector<16xf32>
          %sub3A_77 = arith.subf %sub3A_76, %sub3A_74 : vector<16xf32>
          %add3A_78 = arith.constant 4096 : i32
          %add3A_79 = arith.addi %add3A_78, %add3A_58 : i32
          %get3A_80 = arith.index_cast %add3A_79 : i32 to index
          %get3A_81 = tpu.vector_load %arg6[%get3A_80] {strides = array<i32>} : memref<8192xf32, #tpu.memory_space<vmem>>, vector<16xf32>,
          %mul3A_82 = arith.mulf %get3A_81, %gather3A : vector<16xf32>
          %convert_element_type3A_83 = arith.fptosi %mul3A_82 : vector<16xf32> to vector<16xi32>
          %convert_element_type3A_84 = arith.sitofp %convert_element_type3A_83 : vector<16xi32> to vector<16xf32>
          %sub3A_85 = arith.subf %mul3A_82, %convert_element_type3A_84 : vector<16xf32>
          %sub3A_86 = arith.constant 1.000000e+00 : f32
          %sub3A_87 = vector.broadcast %sub3A_86 : f32 to vector<16xf32>
          %sub3A_88 = arith.subf %sub3A_87, %sub3A_85 : vector<16xf32>
          %add3A_89 = arith.constant 6144 : i32
          %add3A_90 = arith.addi %add3A_89, %add3A_58 : i32
          %get3A_91 = arith.index_cast %add3A_90 : i32 to index
          %get3A_92 = tpu.vector_load %arg6[%get3A_91] {strides = array<i32>} : memref<8192xf32, #tpu.memory_space<vmem>>, vector<16xf32>,
          %mul3A_93 = arith.mulf %get3A_92, %gather3A : vector<16xf32>
          %convert_element_type3A_94 = arith.fptosi %mul3A_93 : vector<16xf32> to vector<16xi32>
          %convert_element_type3A_95 = arith.sitofp %convert_element_type3A_94 : vector<16xi32> to vector<16xf32>
          %sub3A_96 = arith.subf %mul3A_93, %convert_element_type3A_95 : vector<16xf32>
          %sub3A_97 = arith.constant 1.000000e+00 : f32
          %sub3A_98 = vector.broadcast %sub3A_97 : f32 to vector<16xf32>
          %sub3A_99 = arith.subf %sub3A_98, %sub3A_96 : vector<16xf32>
          %mul3A_100 = arith.mulf %sub3A_66, %sub3A_77 : vector<16xf32>
          %mul3A_101 = arith.mulf %sub3A, %sub3A_77 : vector<16xf32>
          %mul3A_102 = arith.mulf %sub3A_66, %sub3A_74 : vector<16xf32>
          %mul3A_103 = arith.mulf %sub3A, %sub3A_74 : vector<16xf32>
          %mul3A_104 = arith.mulf %sub3A_88, %sub3A_99 : vector<16xf32>
          %mul3A_105 = arith.mulf %sub3A_85, %sub3A_99 : vector<16xf32>
          %mul3A_106 = arith.mulf %sub3A_88, %sub3A_96 : vector<16xf32>
          %mul3A_107 = arith.mulf %sub3A_85, %sub3A_96 : vector<16xf32>
          %broadcast_in_dim3A_108 = arith.constant 0.000000e+00 : f32
          %broadcast_in_dim3A_109 = vector.broadcast %broadcast_in_dim3A_108 : f32 to vector<16xf32>
          %broadcast_in_dim3A_110 = arith.constant 0.000000e+00 : f32
          %broadcast_in_dim3A_111 = vector.broadcast %broadcast_in_dim3A_110 : f32 to vector<16xf32>
          %mul3A_112 = arith.constant 16 : i32
          %mul3A_113 = arith.muli %scan3A_55, %mul3A_112 : i32
          %mul3A_114 = arith.mulf %mul3A_100, %mul3A_104 : vector<16xf32>
          %add3A_115 = arith.constant 0 : i32
          %add3A_116 = arith.addi %add3A_115, %mul3A_113 : i32
          %get3A_117 = arith.index_cast %add3A_116 : i32 to index
          %get3A_118 = tpu.vector_load %arg10[%get3A_117] {strides = array<i32>} : memref<16384xf32, #tpu.memory_space<vmem>>, vector<16xf32>,
          %add3A_119 = arith.constant 0 : i32
          %add3A_120 = arith.addi %add3A_119, %mul3A_113 : i32
          %get3A_121 = arith.index_cast %add3A_120 : i32 to index
          %get3A_122 = tpu.vector_load %arg11[%get3A_121] {strides = array<i32>} : memref<16384xf32, #tpu.memory_space<vmem>>, vector<16xf32>,
          %mul3A_123 = arith.mulf %get3A_118, %mul3A_114 : vector<16xf32>
          %add3A_124 = arith.addf %broadcast_in_dim3A_109, %mul3A_123 : vector<16xf32>
          %mul3A_125 = arith.mulf %get3A_122, %mul3A_114 : vector<16xf32>
          %add3A_126 = arith.addf %broadcast_in_dim3A_111, %mul3A_125 : vector<16xf32>
          %mul3A_127 = arith.mulf %mul3A_101, %mul3A_104 : vector<16xf32>
          %add3A_128 = arith.constant 1024 : i32
          %add3A_129 = arith.addi %add3A_128, %mul3A_113 : i32
          %get3A_130 = arith.index_cast %add3A_129 : i32 to index
          %get3A_131 = tpu.vector_load %arg10[%get3A_130] {strides = array<i32>} : memref<16384xf32, #tpu.memory_space<vmem>>, vector<16xf32>,
          %add3A_132 = arith.constant 1024 : i32
          %add3A_133 = arith.addi %add3A_132, %mul3A_113 : i32
          %get3A_134 = arith.index_cast %add3A_133 : i32 to index
          %get3A_135 = tpu.vector_load %arg11[%get3A_134] {strides = array<i32>} : memref<16384xf32, #tpu.memory_space<vmem>>, vector<16xf32>,
          %mul3A_136 = arith.mulf %get3A_131, %mul3A_127 : vector<16xf32>
          %add3A_137 = arith.addf %add3A_124, %mul3A_136 : vector<16xf32>
          %mul3A_138 = arith.mulf %get3A_135, %mul3A_127 : vector<16xf32>
          %add3A_139 = arith.addf %add3A_126, %mul3A_138 : vector<16xf32>
          %mul3A_140 = arith.mulf %mul3A_102, %mul3A_104 : vector<16xf32>
          %add3A_141 = arith.constant 2048 : i32
          %add3A_142 = arith.addi %add3A_141, %mul3A_113 : i32
          %get3A_143 = arith.index_cast %add3A_142 : i32 to index
          %get3A_144 = tpu.vector_load %arg10[%get3A_143] {strides = array<i32>} : memref<16384xf32, #tpu.memory_space<vmem>>, vector<16xf32>,
          %add3A_145 = arith.constant 2048 : i32
          %add3A_146 = arith.addi %add3A_145, %mul3A_113 : i32
          %get3A_147 = arith.index_cast %add3A_146 : i32 to index
          %get3A_148 = tpu.vector_load %arg11[%get3A_147] {strides = array<i32>} : memref<16384xf32, #tpu.memory_space<vmem>>, vector<16xf32>,
          %mul3A_149 = arith.mulf %get3A_144, %mul3A_140 : vector<16xf32>
          %add3A_150 = arith.addf %add3A_137, %mul3A_149 : vector<16xf32>
          %mul3A_151 = arith.mulf %get3A_148, %mul3A_140 : vector<16xf32>
          %add3A_152 = arith.addf %add3A_139, %mul3A_151 : vector<16xf32>
          %mul3A_153 = arith.mulf %mul3A_103, %mul3A_104 : vector<16xf32>
          %add3A_154 = arith.constant 3072 : i32
          %add3A_155 = arith.addi %add3A_154, %mul3A_113 : i32
          %get3A_156 = arith.index_cast %add3A_155 : i32 to index
          %get3A_157 = tpu.vector_load %arg10[%get3A_156] {strides = array<i32>} : memref<16384xf32, #tpu.memory_space<vmem>>, vector<16xf32>,
          %add3A_158 = arith.constant 3072 : i32
          %add3A_159 = arith.addi %add3A_158, %mul3A_113 : i32
          %get3A_160 = arith.index_cast %add3A_159 : i32 to index
          %get3A_161 = tpu.vector_load %arg11[%get3A_160] {strides = array<i32>} : memref<16384xf32, #tpu.memory_space<vmem>>, vector<16xf32>,
          %mul3A_162 = arith.mulf %get3A_157, %mul3A_153 : vector<16xf32>
          %add3A_163 = arith.addf %add3A_150, %mul3A_162 : vector<16xf32>
          %mul3A_164 = arith.mulf %get3A_161, %mul3A_153 : vector<16xf32>
          %add3A_165 = arith.addf %add3A_152, %mul3A_164 : vector<16xf32>
          %mul3A_166 = arith.mulf %mul3A_100, %mul3A_105 : vector<16xf32>
          %add3A_167 = arith.constant 4096 : i32
          %add3A_168 = arith.addi %add3A_167, %mul3A_113 : i32
          %get3A_169 = arith.index_cast %add3A_168 : i32 to index
          %get3A_170 = tpu.vector_load %arg10[%get3A_169] {strides = array<i32>} : memref<16384xf32, #tpu.memory_space<vmem>>, vector<16xf32>,
          %add3A_171 = arith.constant 4096 : i32
          %add3A_172 = arith.addi %add3A_171, %mul3A_113 : i32
          %get3A_173 = arith.index_cast %add3A_172 : i32 to index
          %get3A_174 = tpu.vector_load %arg11[%get3A_173] {strides = array<i32>} : memref<16384xf32, #tpu.memory_space<vmem>>, vector<16xf32>,
          %mul3A_175 = arith.mulf %get3A_170, %mul3A_166 : vector<16xf32>
          %add3A_176 = arith.addf %add3A_163, %mul3A_175 : vector<16xf32>
          %mul3A_177 = arith.mulf %get3A_174, %mul3A_166 : vector<16xf32>
          %add3A_178 = arith.addf %add3A_165, %mul3A_177 : vector<16xf32>
          %mul3A_179 = arith.mulf %mul3A_101, %mul3A_105 : vector<16xf32>
          %add3A_180 = arith.constant 5120 : i32
          %add3A_181 = arith.addi %add3A_180, %mul3A_113 : i32
          %get3A_182 = arith.index_cast %add3A_181 : i32 to index
          %get3A_183 = tpu.vector_load %arg10[%get3A_182] {strides = array<i32>} : memref<16384xf32, #tpu.memory_space<vmem>>, vector<16xf32>,
          %add3A_184 = arith.constant 5120 : i32
          %add3A_185 = arith.addi %add3A_184, %mul3A_113 : i32
          %get3A_186 = arith.index_cast %add3A_185 : i32 to index
          %get3A_187 = tpu.vector_load %arg11[%get3A_186] {strides = array<i32>} : memref<16384xf32, #tpu.memory_space<vmem>>, vector<16xf32>,
          %mul3A_188 = arith.mulf %get3A_183, %mul3A_179 : vector<16xf32>
          %add3A_189 = arith.addf %add3A_176, %mul3A_188 : vector<16xf32>
          %mul3A_190 = arith.mulf %get3A_187, %mul3A_179 : vector<16xf32>
          %add3A_191 = arith.addf %add3A_178, %mul3A_190 : vector<16xf32>
          %mul3A_192 = arith.mulf %mul3A_102, %mul3A_105 : vector<16xf32>
          %add3A_193 = arith.constant 6144 : i32
          %add3A_194 = arith.addi %add3A_193, %mul3A_113 : i32
          %get3A_195 = arith.index_cast %add3A_194 : i32 to index
          %get3A_196 = tpu.vector_load %arg10[%get3A_195] {strides = array<i32>} : memref<16384xf32, #tpu.memory_space<vmem>>, vector<16xf32>,
          %add3A_197 = arith.constant 6144 : i32
          %add3A_198 = arith.addi %add3A_197, %mul3A_113 : i32
          %get3A_199 = arith.index_cast %add3A_198 : i32 to index
          %get3A_200 = tpu.vector_load %arg11[%get3A_199] {strides = array<i32>} : memref<16384xf32, #tpu.memory_space<vmem>>, vector<16xf32>,
          %mul3A_201 = arith.mulf %get3A_196, %mul3A_192 : vector<16xf32>
          %add3A_202 = arith.addf %add3A_189, %mul3A_201 : vector<16xf32>
          %mul3A_203 = arith.mulf %get3A_200, %mul3A_192 : vector<16xf32>
          %add3A_204 = arith.addf %add3A_191, %mul3A_203 : vector<16xf32>
          %mul3A_205 = arith.mulf %mul3A_103, %mul3A_105 : vector<16xf32>
          %add3A_206 = arith.constant 7168 : i32
          %add3A_207 = arith.addi %add3A_206, %mul3A_113 : i32
          %get3A_208 = arith.index_cast %add3A_207 : i32 to index
          %get3A_209 = tpu.vector_load %arg10[%get3A_208] {strides = array<i32>} : memref<16384xf32, #tpu.memory_space<vmem>>, vector<16xf32>,
          %add3A_210 = arith.constant 7168 : i32
          %add3A_211 = arith.addi %add3A_210, %mul3A_113 : i32
          %get3A_212 = arith.index_cast %add3A_211 : i32 to index
          %get3A_213 = tpu.vector_load %arg11[%get3A_212] {strides = array<i32>} : memref<16384xf32, #tpu.memory_space<vmem>>, vector<16xf32>,
          %mul3A_214 = arith.mulf %get3A_209, %mul3A_205 : vector<16xf32>
          %add3A_215 = arith.addf %add3A_202, %mul3A_214 : vector<16xf32>
          %mul3A_216 = arith.mulf %get3A_213, %mul3A_205 : vector<16xf32>
          %add3A_217 = arith.addf %add3A_204, %mul3A_216 : vector<16xf32>
          %mul3A_218 = arith.mulf %mul3A_100, %mul3A_106 : vector<16xf32>
          %add3A_219 = arith.constant 8192 : i32
          %add3A_220 = arith.addi %add3A_219, %mul3A_113 : i32
          %get3A_221 = arith.index_cast %add3A_220 : i32 to index
          %get3A_222 = tpu.vector_load %arg10[%get3A_221] {strides = array<i32>} : memref<16384xf32, #tpu.memory_space<vmem>>, vector<16xf32>,
          %add3A_223 = arith.constant 8192 : i32
          %add3A_224 = arith.addi %add3A_223, %mul3A_113 : i32
          %get3A_225 = arith.index_cast %add3A_224 : i32 to index
          %get3A_226 = tpu.vector_load %arg11[%get3A_225] {strides = array<i32>} : memref<16384xf32, #tpu.memory_space<vmem>>, vector<16xf32>,
          %mul3A_227 = arith.mulf %get3A_222, %mul3A_218 : vector<16xf32>
          %add3A_228 = arith.addf %add3A_215, %mul3A_227 : vector<16xf32>
          %mul3A_229 = arith.mulf %get3A_226, %mul3A_218 : vector<16xf32>
          %add3A_230 = arith.addf %add3A_217, %mul3A_229 : vector<16xf32>
          %mul3A_231 = arith.mulf %mul3A_101, %mul3A_106 : vector<16xf32>
          %add3A_232 = arith.constant 9216 : i32
          %add3A_233 = arith.addi %add3A_232, %mul3A_113 : i32
          %get3A_234 = arith.index_cast %add3A_233 : i32 to index
          %get3A_235 = tpu.vector_load %arg10[%get3A_234] {strides = array<i32>} : memref<16384xf32, #tpu.memory_space<vmem>>, vector<16xf32>,
          %add3A_236 = arith.constant 9216 : i32
          %add3A_237 = arith.addi %add3A_236, %mul3A_113 : i32
          %get3A_238 = arith.index_cast %add3A_237 : i32 to index
          %get3A_239 = tpu.vector_load %arg11[%get3A_238] {strides = array<i32>} : memref<16384xf32, #tpu.memory_space<vmem>>, vector<16xf32>,
          %mul3A_240 = arith.mulf %get3A_235, %mul3A_231 : vector<16xf32>
          %add3A_241 = arith.addf %add3A_228, %mul3A_240 : vector<16xf32>
          %mul3A_242 = arith.mulf %get3A_239, %mul3A_231 : vector<16xf32>
          %add3A_243 = arith.addf %add3A_230, %mul3A_242 : vector<16xf32>
          %mul3A_244 = arith.mulf %mul3A_102, %mul3A_106 : vector<16xf32>
          %add3A_245 = arith.constant 10240 : i32
          %add3A_246 = arith.addi %add3A_245, %mul3A_113 : i32
          %get3A_247 = arith.index_cast %add3A_246 : i32 to index
          %get3A_248 = tpu.vector_load %arg10[%get3A_247] {strides = array<i32>} : memref<16384xf32, #tpu.memory_space<vmem>>, vector<16xf32>,
          %add3A_249 = arith.constant 10240 : i32
          %add3A_250 = arith.addi %add3A_249, %mul3A_113 : i32
          %get3A_251 = arith.index_cast %add3A_250 : i32 to index
          %get3A_252 = tpu.vector_load %arg11[%get3A_251] {strides = array<i32>} : memref<16384xf32, #tpu.memory_space<vmem>>, vector<16xf32>,
          %mul3A_253 = arith.mulf %get3A_248, %mul3A_244 : vector<16xf32>
          %add3A_254 = arith.addf %add3A_241, %mul3A_253 : vector<16xf32>
          %mul3A_255 = arith.mulf %get3A_252, %mul3A_244 : vector<16xf32>
          %add3A_256 = arith.addf %add3A_243, %mul3A_255 : vector<16xf32>
          %mul3A_257 = arith.mulf %mul3A_103, %mul3A_106 : vector<16xf32>
          %add3A_258 = arith.constant 11264 : i32
          %add3A_259 = arith.addi %add3A_258, %mul3A_113 : i32
          %get3A_260 = arith.index_cast %add3A_259 : i32 to index
          %get3A_261 = tpu.vector_load %arg10[%get3A_260] {strides = array<i32>} : memref<16384xf32, #tpu.memory_space<vmem>>, vector<16xf32>,
          %add3A_262 = arith.constant 11264 : i32
          %add3A_263 = arith.addi %add3A_262, %mul3A_113 : i32
          %get3A_264 = arith.index_cast %add3A_263 : i32 to index
          %get3A_265 = tpu.vector_load %arg11[%get3A_264] {strides = array<i32>} : memref<16384xf32, #tpu.memory_space<vmem>>, vector<16xf32>,
          %mul3A_266 = arith.mulf %get3A_261, %mul3A_257 : vector<16xf32>
          %add3A_267 = arith.addf %add3A_254, %mul3A_266 : vector<16xf32>
          %mul3A_268 = arith.mulf %get3A_265, %mul3A_257 : vector<16xf32>
          %add3A_269 = arith.addf %add3A_256, %mul3A_268 : vector<16xf32>
          %mul3A_270 = arith.mulf %mul3A_100, %mul3A_107 : vector<16xf32>
          %add3A_271 = arith.constant 12288 : i32
          %add3A_272 = arith.addi %add3A_271, %mul3A_113 : i32
          %get3A_273 = arith.index_cast %add3A_272 : i32 to index
          %get3A_274 = tpu.vector_load %arg10[%get3A_273] {strides = array<i32>} : memref<16384xf32, #tpu.memory_space<vmem>>, vector<16xf32>,
          %add3A_275 = arith.constant 12288 : i32
          %add3A_276 = arith.addi %add3A_275, %mul3A_113 : i32
          %get3A_277 = arith.index_cast %add3A_276 : i32 to index
          %get3A_278 = tpu.vector_load %arg11[%get3A_277] {strides = array<i32>} : memref<16384xf32, #tpu.memory_space<vmem>>, vector<16xf32>,
          %mul3A_279 = arith.mulf %get3A_274, %mul3A_270 : vector<16xf32>
          %add3A_280 = arith.addf %add3A_267, %mul3A_279 : vector<16xf32>
          %mul3A_281 = arith.mulf %get3A_278, %mul3A_270 : vector<16xf32>
          %add3A_282 = arith.addf %add3A_269, %mul3A_281 : vector<16xf32>
          %mul3A_283 = arith.mulf %mul3A_101, %mul3A_107 : vector<16xf32>
          %add3A_284 = arith.constant 13312 : i32
          %add3A_285 = arith.addi %add3A_284, %mul3A_113 : i32
          %get3A_286 = arith.index_cast %add3A_285 : i32 to index
          %get3A_287 = tpu.vector_load %arg10[%get3A_286] {strides = array<i32>} : memref<16384xf32, #tpu.memory_space<vmem>>, vector<16xf32>,
          %add3A_288 = arith.constant 13312 : i32
          %add3A_289 = arith.addi %add3A_288, %mul3A_113 : i32
          %get3A_290 = arith.index_cast %add3A_289 : i32 to index
          %get3A_291 = tpu.vector_load %arg11[%get3A_290] {strides = array<i32>} : memref<16384xf32, #tpu.memory_space<vmem>>, vector<16xf32>,
          %mul3A_292 = arith.mulf %get3A_287, %mul3A_283 : vector<16xf32>
          %add3A_293 = arith.addf %add3A_280, %mul3A_292 : vector<16xf32>
          %mul3A_294 = arith.mulf %get3A_291, %mul3A_283 : vector<16xf32>
          %add3A_295 = arith.addf %add3A_282, %mul3A_294 : vector<16xf32>
          %mul3A_296 = arith.mulf %mul3A_102, %mul3A_107 : vector<16xf32>
          %add3A_297 = arith.constant 14336 : i32
          %add3A_298 = arith.addi %add3A_297, %mul3A_113 : i32
          %get3A_299 = arith.index_cast %add3A_298 : i32 to index
          %get3A_300 = tpu.vector_load %arg10[%get3A_299] {strides = array<i32>} : memref<16384xf32, #tpu.memory_space<vmem>>, vector<16xf32>,
          %add3A_301 = arith.constant 14336 : i32
          %add3A_302 = arith.addi %add3A_301, %mul3A_113 : i32
          %get3A_303 = arith.index_cast %add3A_302 : i32 to index
          %get3A_304 = tpu.vector_load %arg11[%get3A_303] {strides = array<i32>} : memref<16384xf32, #tpu.memory_space<vmem>>, vector<16xf32>,
          %mul3A_305 = arith.mulf %get3A_300, %mul3A_296 : vector<16xf32>
          %add3A_306 = arith.addf %add3A_293, %mul3A_305 : vector<16xf32>
          %mul3A_307 = arith.mulf %get3A_304, %mul3A_296 : vector<16xf32>
          %add3A_308 = arith.addf %add3A_295, %mul3A_307 : vector<16xf32>
          %mul3A_309 = arith.mulf %mul3A_103, %mul3A_107 : vector<16xf32>
          %add3A_310 = arith.constant 15360 : i32
          %add3A_311 = arith.addi %add3A_310, %mul3A_113 : i32
          %get3A_312 = arith.index_cast %add3A_311 : i32 to index
          %get3A_313 = tpu.vector_load %arg10[%get3A_312] {strides = array<i32>} : memref<16384xf32, #tpu.memory_space<vmem>>, vector<16xf32>,
          %add3A_314 = arith.constant 15360 : i32
          %add3A_315 = arith.addi %add3A_314, %mul3A_113 : i32
          %get3A_316 = arith.index_cast %add3A_315 : i32 to index
          %get3A_317 = tpu.vector_load %arg11[%get3A_316] {strides = array<i32>} : memref<16384xf32, #tpu.memory_space<vmem>>, vector<16xf32>,
          %mul3A_318 = arith.mulf %get3A_313, %mul3A_309 : vector<16xf32>
          %add3A_319 = arith.addf %add3A_306, %mul3A_318 : vector<16xf32>
          %mul3A_320 = arith.mulf %get3A_317, %mul3A_309 : vector<16xf32>
          %add3A_321 = arith.addf %add3A_308, %mul3A_320 : vector<16xf32>
          %mul3A_322 = arith.constant 512 : i32
          %mul3A_323 = arith.muli %scan3A_55, %mul3A_322 : i32
          %mul3A_324 = arith.constant 2 : i32
          %mul3A_325 = arith.muli %mul3A_324, %scan3A_32 : i32
          %add3A_326 = arith.addi %mul3A_323, %mul3A_325 : i32
          %add3A_327 = vector.broadcast %add3A_326 : i32 to vector<16xi32>
          %add3A_328 = arith.addi %mul3A_13, %add3A_327 : vector<16xi32>
          tpu.vector_store_idx %arg12[%add3A_328], %add3A_319 : memref<32768xf32, #tpu.memory_space<vmem>>[vector<16xi32>], vector<16xf32>,
          %add3A_329 = arith.constant 1 : i32
          %add3A_330 = vector.broadcast %add3A_329 : i32 to vector<16xi32>
          %add3A_331 = arith.addi %add3A_328, %add3A_330 : vector<16xi32>
          tpu.vector_store_idx %arg12[%add3A_331], %add3A_321 : memref<32768xf32, #tpu.memory_space<vmem>>[vector<16xi32>], vector<16xf32>,
        }
        %scan3A_54 = arith.constant 64 : i32
      }
      %scan3A_28 = arith.constant 16 : i32
      %add3A_29 = arith.addi %mul3A_2, %mul3A_22 : i32
      %mul3A_30 = arith.constant 32 : i32
      %mul3A_31 = arith.muli %add3A_29, %mul3A_30 : i32
      "tpu.region"() ({
        %run_scoped3A = tpu.sem_alloc : memref<!tpu.dma_semaphore, #tpu.memory_space<semaphore_mem>>
        %dma_start3A = tpu.memref_slice %arg5[%mul3A_31] : memref<2097152xf32, #tpu.memory_space<hbm>> -> memref<32768xf32, #tpu.memory_space<hbm>>
        %dma_start3A_32 = tpu.memref_slice %arg5[%mul3A_31] : memref<2097152xf32, #tpu.memory_space<hbm>> -> memref<32768xf32, #tpu.memory_space<hbm>>
        tpu.enqueue_dma source(%arg12 : memref<32768xf32, #tpu.memory_space<vmem>>) target(%dma_start3A_32 : memref<32768xf32, #tpu.memory_space<hbm>>) target_semaphore(%run_scoped3A : memref<!tpu.dma_semaphore, #tpu.memory_space<semaphore_mem>>)
        %dma_wait3A = tpu.memref_slice %arg5[%mul3A_31] : memref<2097152xf32, #tpu.memory_space<hbm>> -> memref<32768xf32, #tpu.memory_space<hbm>>
        %dma_wait3A_33 = tpu.memref_slice %arg5[%mul3A_31] : memref<2097152xf32, #tpu.memory_space<hbm>> -> memref<32768xf32, #tpu.memory_space<hbm>>
        tpu.wait_dma2 semaphore(%run_scoped3A : memref<!tpu.dma_semaphore, #tpu.memory_space<semaphore_mem>>) src(%arg12 : memref<32768xf32, #tpu.memory_space<vmem>>) dst(%dma_wait3A_33 : memref<32768xf32, #tpu.memory_space<hbm>>)
        tpu.yield
      }) : () -> ()
    }
    %scan3A_19 = arith.constant 2 : i32
    return
  }
}

module attributes {stable_mosaic.version = 14 : i64} {
  func.func @_mlp_body(%arg0: i32, %arg1: memref<4096x32xf32, #tpu.memory_space<vmem>>, %arg2: memref<32x256xf32, #tpu.memory_space<vmem>>, %arg3: memref<1x256xf32, #tpu.memory_space<vmem>>, %arg4: memref<256x128xf32, #tpu.memory_space<vmem>>, %arg5: memref<1x128xf32, #tpu.memory_space<vmem>>, %arg6: memref<128x128xf32, #tpu.memory_space<vmem>>, %arg7: memref<1x128xf32, #tpu.memory_space<vmem>>, %arg8: memref<4096x128xf32, #tpu.memory_space<vmem>>) attributes {dimension_semantics = [#tpu.dimension_semantics<arbitrary>], iteration_bounds = array<i64: 16>, scalar_prefetch = 0 : i64, scratch_operands = 0 : i64, tpu.core_type = #tpu.core_type<tc>, window_params = [{transform_indices = @transform_0, window_bounds = array<i64: 4096, 32>}, {pipeline_mode = #tpu.pipeline_mode<synchronous>, transform_indices = @transform_1, window_bounds = array<i64: 32, 256>}, {pipeline_mode = #tpu.pipeline_mode<synchronous>, transform_indices = @transform_2, window_bounds = array<i64: 1, 256>}, {pipeline_mode = #tpu.pipeline_mode<synchronous>, transform_indices = @transform_3, window_bounds = array<i64: 256, 128>}, {pipeline_mode = #tpu.pipeline_mode<synchronous>, transform_indices = @transform_4, window_bounds = array<i64: 1, 128>}, {pipeline_mode = #tpu.pipeline_mode<synchronous>, transform_indices = @transform_5, window_bounds = array<i64: 128, 128>}, {pipeline_mode = #tpu.pipeline_mode<synchronous>, transform_indices = @transform_6, window_bounds = array<i64: 1, 128>}, {transform_indices = @transform_7, window_bounds = array<i64: 4096, 128>}]} {
    %get3A = arith.constant 0 : index
    %get3A_0 = arith.constant 0 : index
    %get3A_1 = vector.load %arg1[%get3A, %get3A_0] : memref<4096x32xf32, #tpu.memory_space<vmem>>, vector<4096x32xf32>
    %get3A_2 = arith.constant 0 : index
    %get3A_3 = arith.constant 0 : index
    %get3A_4 = vector.load %arg2[%get3A_2, %get3A_3] : memref<32x256xf32, #tpu.memory_space<vmem>>, vector<32x256xf32>
    %dot_general3A = arith.constant dense<0.000000e+00> : vector<4096x256xf32>
    %dot_general3A_5 = tpu.matmul %get3A_1, %get3A_4, %dot_general3A {dimension_numbers = #tpu.dot_dimension_numbers<[1], [0], [0], [1], [0, 0, 1, 1], [], []>, transpose_lhs_hint = false} : vector<4096x32xf32>, vector<32x256xf32>, vector<4096x256xf32> -> vector<4096x256xf32>
    %get3A_6 = arith.constant 0 : index
    %get3A_7 = arith.constant 0 : index
    %get3A_8 = vector.load %arg3[%get3A_6, %get3A_7] : memref<1x256xf32, #tpu.memory_space<vmem>>, vector<1x256xf32>
    %add3A = vector.broadcast %get3A_8 : vector<1x256xf32> to vector<4096x256xf32>
    %add3A_9 = arith.addf %dot_general3A_5, %add3A : vector<4096x256xf32>
    %max3A = arith.constant 0.000000e+00 : f32
    %max3A_10 = vector.broadcast %max3A : f32 to vector<4096x256xf32>
    %max3A_11 = arith.maximumf %add3A_9, %max3A_10 : vector<4096x256xf32>
    %get3A_12 = arith.constant 0 : index
    %get3A_13 = arith.constant 0 : index
    %get3A_14 = vector.load %arg4[%get3A_12, %get3A_13] : memref<256x128xf32, #tpu.memory_space<vmem>>, vector<256x128xf32>
    %dot_general3A_15 = arith.constant dense<0.000000e+00> : vector<4096x128xf32>
    %dot_general3A_16 = tpu.matmul %max3A_11, %get3A_14, %dot_general3A_15 {dimension_numbers = #tpu.dot_dimension_numbers<[1], [0], [0], [1], [0, 0, 1, 1], [], []>, transpose_lhs_hint = false} : vector<4096x256xf32>, vector<256x128xf32>, vector<4096x128xf32> -> vector<4096x128xf32>
    %get3A_17 = arith.constant 0 : index
    %get3A_18 = arith.constant 0 : index
    %get3A_19 = vector.load %arg5[%get3A_17, %get3A_18] : memref<1x128xf32, #tpu.memory_space<vmem>>, vector<1x128xf32>
    %add3A_20 = vector.broadcast %get3A_19 : vector<1x128xf32> to vector<4096x128xf32>
    %add3A_21 = arith.addf %dot_general3A_16, %add3A_20 : vector<4096x128xf32>
    %max3A_22 = arith.constant 0.000000e+00 : f32
    %max3A_23 = vector.broadcast %max3A_22 : f32 to vector<4096x128xf32>
    %max3A_24 = arith.maximumf %add3A_21, %max3A_23 : vector<4096x128xf32>
    %get3A_25 = arith.constant 0 : index
    %get3A_26 = arith.constant 0 : index
    %get3A_27 = vector.load %arg6[%get3A_25, %get3A_26] : memref<128x128xf32, #tpu.memory_space<vmem>>, vector<128x128xf32>
    %dot_general3A_28 = arith.constant dense<0.000000e+00> : vector<4096x128xf32>
    %dot_general3A_29 = tpu.matmul %max3A_24, %get3A_27, %dot_general3A_28 {dimension_numbers = #tpu.dot_dimension_numbers<[1], [0], [0], [1], [0, 0, 1, 1], [], []>, transpose_lhs_hint = false} : vector<4096x128xf32>, vector<128x128xf32>, vector<4096x128xf32> -> vector<4096x128xf32>
    %get3A_30 = arith.constant 0 : index
    %get3A_31 = arith.constant 0 : index
    %get3A_32 = vector.load %arg7[%get3A_30, %get3A_31] : memref<1x128xf32, #tpu.memory_space<vmem>>, vector<1x128xf32>
    %add3A_33 = vector.broadcast %get3A_32 : vector<1x128xf32> to vector<4096x128xf32>
    %add3A_34 = arith.addf %dot_general3A_29, %add3A_33 : vector<4096x128xf32>
    %logistic3A = arith.negf %add3A_34 : vector<4096x128xf32>
    %logistic3A_35 = math.exp %logistic3A : vector<4096x128xf32>
    %logistic3A_36 = arith.constant 1.000000e+00 : f32
    %logistic3A_37 = vector.broadcast %logistic3A_36 : f32 to vector<4096x128xf32>
    %logistic3A_38 = arith.addf %logistic3A_37, %logistic3A_35 : vector<4096x128xf32>
    %logistic3A_39 = arith.divf %logistic3A_37, %logistic3A_38 : vector<4096x128xf32>
    %swap3A = arith.constant 0 : index
    %swap3A_40 = arith.constant 0 : index
    %swap3A_41 = vector.load %arg8[%swap3A, %swap3A_40] : memref<4096x128xf32, #tpu.memory_space<vmem>>, vector<4096x128xf32>
    tpu.vector_store %arg8[%swap3A, %swap3A_40], %logistic3A_39 {strides = array<i32>} : memref<4096x128xf32, #tpu.memory_space<vmem>>, vector<4096x128xf32>,
    return
  }
  func.func @transform_0(%arg0: i32) -> (i32, i32) {
    %c0_i32 = arith.constant 0 : i32
    %c0_i32_0 = arith.constant 0 : i32
    return %arg0, %c0_i32 : i32, i32
  }
  func.func @transform_1(%arg0: i32) -> (i32, i32) {
    %c0_i32 = arith.constant 0 : i32
    %c0_i32_0 = arith.constant 0 : i32
    %c0_i32_1 = arith.constant 0 : i32
    return %c0_i32, %c0_i32_0 : i32, i32
  }
  func.func @transform_2(%arg0: i32) -> (i32, i32) {
    %c0_i32 = arith.constant 0 : i32
    %c0_i32_0 = arith.constant 0 : i32
    %c0_i32_1 = arith.constant 0 : i32
    return %c0_i32, %c0_i32_0 : i32, i32
  }
  func.func @transform_3(%arg0: i32) -> (i32, i32) {
    %c0_i32 = arith.constant 0 : i32
    %c0_i32_0 = arith.constant 0 : i32
    %c0_i32_1 = arith.constant 0 : i32
    return %c0_i32, %c0_i32_0 : i32, i32
  }
  func.func @transform_4(%arg0: i32) -> (i32, i32) {
    %c0_i32 = arith.constant 0 : i32
    %c0_i32_0 = arith.constant 0 : i32
    %c0_i32_1 = arith.constant 0 : i32
    return %c0_i32, %c0_i32_0 : i32, i32
  }
  func.func @transform_5(%arg0: i32) -> (i32, i32) {
    %c0_i32 = arith.constant 0 : i32
    %c0_i32_0 = arith.constant 0 : i32
    %c0_i32_1 = arith.constant 0 : i32
    return %c0_i32, %c0_i32_0 : i32, i32
  }
  func.func @transform_6(%arg0: i32) -> (i32, i32) {
    %c0_i32 = arith.constant 0 : i32
    %c0_i32_0 = arith.constant 0 : i32
    %c0_i32_1 = arith.constant 0 : i32
    return %c0_i32, %c0_i32_0 : i32, i32
  }
  func.func @transform_7(%arg0: i32) -> (i32, i32) {
    %c0_i32 = arith.constant 0 : i32
    %c0_i32_0 = arith.constant 0 : i32
    return %arg0, %c0_i32 : i32, i32
  }
}

</mosaic_0001>

<sc_bundles>
// kernel: kernel.4.cloned.1.call-start
scs
__scs_entry_jumppad:
0x0: {  	(pc) =	sbr.rel $0x88, $3  }
0x1: {  	(tag) =	ssettag $0x0;
	lr =	simm.s32 $0x1  }
0x2: {  	[smem:$0x3F99] =	sst lr;
	_ =	strace $0xD0000000  }
0x3: {  	_ = 	snop  }
0x4: {  	_ = 	snop  }
0x5: {  	_ = 	snop  }
0x6: {  	_ = 	snop  }
0x7: {  	_ = 	snop  }
__scs_overlays_trampoline_lowered:
0x8: {  	[smem:$0x3FA8] =	sst s0  }
0x9: {  	[smem:$0x3FA9] =	sst s1  }
0xa: {  	[smem:$0x3FAA] =	sst s2  }
0xb: {  	[smem:$0x3FAB] =	sst s3  }
0xc: {  	[smem:$0x3FAC] =	sst s4  }
0xd: {  	[smem:$0x3FAD] =	sst s5  }
0xe: {  	[smem:$0x3FAE] =	sst s6  }
0xf: {  	[smem:$0x3FAF] =	sst s7  }
0x10: {  	[smem:$0x3FB0] =	sst s8  }
0x11: {  	[smem:$0x3FB1] =	sst s9;
	s0 =	simm.s32 @!p0 $0x0  }
0x12: {  	s1 =	sld [smem:$0x3F97];
	s0 =	simm.s32 @p0 $0x1  }
0x13: {  	[smem:$0x3FB2] =	sst s0;
	s0 =	simm.s32 @!p1 $0x0  }
0x14: {  	s2 =	sld [smem:$0x3F96];
	s0 =	simm.s32 @p1 $0x1  }
0x15: {  	[smem:$0x3FB3] =	sst s0;
	s0 =	simm.s32 @!p2 $0x0  }
0x16: {  	s3 =	sld [smem:$0x3FDB];
	s0 =	simm.s32 @p2 $0x1  }
0x17: {  	s4 =	simm.s32 $0x1BF5;
	[smem:$0x3FB5] =	sst s0  }
0x18: {  	s0 =	sld [smem:$0x3F98];
	_ =	swait.ge [sflag:s4], $0x0  }
0x19: {  	s7 =	sld [smem:$0x3F99]  }
0x1a: {  	s8 =	sadd.s32 $0xFFFFE003, lr  }
0x1b: {  	s9 =	sadd.s32 $0xFFFFFEF7, lr;
	s5 =	simm.s32 $0xFFFFFFFF;
	p2 =	slt.u32 s8, $0xFFFFF086  }
0x1c: {  	p1 =	slt.u32 s9, $0xF7A;
	s5 =	simm.s32 @!p2 $0x0  }
0x1d: {  	s5 =	simm.s32 @p1 $0x1;
	p0 =	seq.s32 s7, s2  }
0x1e: {  	s7 =	smul.u32 @!p0 $0xF7A, s2;
	p2 =	seq.s32 @!p0 s5, $0x0  }
0x1f: {  	s9 =	smul.u32 $0xF7A, s1;
	s8 =	simm.s32 @!p0 $0x1BF5;
	p2 =	por !p2, p0  }
0x20: {  	[sflag:s8] =	ssyncset.s32 @!p0 $0xFFFFF086;
	s6 =	sadd.s32 @!p0 s3, s7;
	s7 =	simm.s32 @!p0 $0x108  }
0x21: {  	s3 =	sadd.s32 s3, s9;
	s6 =	sadd.s32 @!p0 $0x88, s6;
	s7 =	simm.s32 @p2 $0x1082  }
0x22: {  	[simem:s7], [sflag:s8] =	dma.local @!p0 [hbm:s6], $0xF7A  }
0x23: {  	s9 =	sor.u32 $0xD0000000, s2;
	s6 =	simm.s32 $0x108;
	_ =	swait.ge @!p0 [sflag:s8], $0x0  }
0x24: {  	s3 =	sadd.s32 $0x88, s3;
	s6 =	simm.s32 @!p1 $0x1082;
	[sflag:s4] =	ssyncset.s32 $0xFFFFF086  }
0x25: {  	[simem:s6], [sflag:s4] =	dma.local [hbm:s3], $0xF7A  }
0x26: {  	[smem:$0x3F99] =	sst s1;
	(tag) =	ssettag s2;
	_ =	strace s9  }
0x27: {  	s1 =	sld [smem:$0x3FA9]  }
0x28: {  	s2 =	sld [smem:$0x3FAA]  }
0x29: {  	s4 =	sld [smem:$0x3FAC]  }
0x2a: {  	p0 =	seq.s32 s5, $0x0;
	s5 =	sld [smem:$0x3FAD]  }
0x2b: {  	s6 =	sld [smem:$0x3FAE]  }
0x2c: {  	s7 =	sld [smem:$0x3FAF]  }
0x2d: {  	s3 =	simm.s32 $0x108;
	s8 =	sld [smem:$0x3FB0]  }
0x2e: {  	s3 =	simm.s32 @!p0 $0x1082;
	s9 =	sld [smem:$0x3FB1]  }
0x2f: {  	lr =	sadd.s32 s0, s3;
	s0 =	sld [smem:$0x3FA8]  }
0x30: {  	s3 =	sld [smem:$0x3FAB]  }
0x31: {  	[smem:$0x3FB4] =	sst s10  }
0x32: {  	s10 =	sld [smem:$0x3FB2];
	_ =	sdelay $0x3  }
0x33: {  	p0 =	seq.s32 s10, $0x1;
	s10 =	sld [smem:$0x3FB4];
	_ =	sdelay $0x3  }
0x34: {  	[smem:$0x3FB4] =	sst s10  }
0x35: {  	s10 =	sld [smem:$0x3FB3];
	_ =	sdelay $0x3  }
0x36: {  	p1 =	seq.s32 s10, $0x1;
	s10 =	sld [smem:$0x3FB4];
	_ =	sdelay $0x3  }
0x37: {  	[smem:$0x3FB4] =	sst s10  }
0x38: {  	s10 =	sld [smem:$0x3FB5]  }
0x39: {  	_ = 	snop;
	(pc) =	sbr.ind lr, $3  }
0x3a: {  	_ = 	snop  }
0x3b: {  	_ = 	snop  }
0x3c: {  	p2 =	seq.s32 s10, $0x1;
	s10 =	sld [smem:$0x3FB4]  }
0x3d: {  	_ =	shalt  }
0x3e: {  	_ =	shalt  }
0x3f: {  	_ =	shalt  }
0x40: {  	_ =	shalt  }
0x41: {  	_ =	shalt  }
0x42: {  	_ =	shalt  }
0x43: {  	_ =	shalt  }
0x44: {  	_ =	shalt  }
0x45: {  	_ =	shalt  }
0x46: {  	_ =	shalt  }
0x47: {  	_ =	shalt  }
0x48: {  	_ =	shalt  }
0x49: {  	_ =	shalt  }
0x4a: {  	_ =	shalt  }
0x4b: {  	_ =	shalt  }
0x4c: {  	_ =	shalt  }
0x4d: {  	_ =	shalt  }
0x4e: {  	_ =	shalt  }
0x4f: {  	_ =	shalt  }
0x50: {  	_ =	shalt  }
0x51: {  	_ =	shalt  }
0x52: {  	_ =	shalt  }
0x53: {  	_ =	shalt  }
0x54: {  	_ =	shalt  }
0x55: {  	_ =	shalt  }
0x56: {  	_ =	shalt  }
0x57: {  	_ =	shalt  }
0x58: {  	_ =	shalt  }
0x59: {  	_ =	shalt  }
0x5a: {  	_ =	shalt  }
0x5b: {  	_ =	shalt  }
0x5c: {  	_ =	shalt  }
0x5d: {  	_ =	shalt  }
0x5e: {  	_ =	shalt  }
0x5f: {  	_ =	shalt  }
0x60: {  	_ =	shalt  }
0x61: {  	_ =	shalt  }
0x62: {  	_ =	shalt  }
0x63: {  	_ =	shalt  }
0x64: {  	_ =	shalt  }
0x65: {  	_ =	shalt  }
0x66: {  	_ =	shalt  }
0x67: {  	_ =	shalt  }
0x68: {  	_ =	shalt  }
0x69: {  	_ =	shalt  }
0x6a: {  	_ =	shalt  }
0x6b: {  	_ =	shalt  }
0x6c: {  	_ =	shalt  }
0x6d: {  	_ =	shalt  }
0x6e: {  	_ =	shalt  }
0x6f: {  	_ =	shalt  }
0x70: {  	_ =	shalt  }
0x71: {  	_ =	shalt  }
0x72: {  	_ =	shalt  }
0x73: {  	_ =	shalt  }
0x74: {  	_ =	shalt  }
0x75: {  	_ =	shalt  }
0x76: {  	_ =	shalt  }
0x77: {  	_ =	shalt  }
0x78: {  	_ =	shalt  }
0x79: {  	_ =	shalt  }
0x7a: {  	_ =	shalt  }
0x7b: {  	_ =	shalt  }
0x7c: {  	_ =	shalt  }
0x7d: {  	_ =	shalt  }
0x7e: {  	_ =	shalt  }
0x7f: {  	_ =	shalt  }
0x80: {  	_ =	shalt  }
0x81: {  	_ =	shalt  }
0x82: {  	_ =	shalt  }
0x83: {  	_ =	shalt  }
0x84: {  	_ =	shalt  }
0x85: {  	_ =	shalt  }
0x86: {  	_ =	shalt  }
0x87: {  	_ =	shalt  }
.Lfunc_end0:
.L_simem_size_0:
called_computation_lowered:
.L_overlay_start_0:
0x88: {  	s2 =	sld [smem:$0x3FD9]  }
0x89: {  	s3 =	sld [smem:$0x3FFE];
	_ =	sdelay $0x1  }
0x8a: {  	s1 =	srdreg.scid  }
0x8b: {  	s0 =	sand.u32 $0x1, s1  }
0x8c: {  	s17 =	sshll.u32 s0, $0xA;
	s2 =	sadd.s32 s3, s2  }
0x8d: {  	s2 =	sadd.s32 s2, s17  }
0x8e: {  	[smem:$0x3FC0] =	sst s2  }
0x8f: {  	_ = 	snop  }
0x90: {  	s2 =	sld [smem:$0x3FD0];
	(tm) =	ssettm $0x1  }
0x91: {  	s18 =	sld [smem:$0x3FFB];
	_ =	sdelay $0x3  }
0x92: {  	_ =	strace s18  }
0x93: {  	s3 =	sld [smem:$0x3FFC];
	_ =	sdelay $0x3  }
0x94: {  	_ =	strace s3  }
0x95: {  	s3 =	sld [smem:$0x3FFD];
	_ =	sdelay $0x3  }
0x96: {  	_ =	strace s3  }
0x97: {  	_ =	strace $0x8FFFFFFF  }
0x98: {  	s19 =	sld [smem:$0x3FDB];
	_ =	sdelay $0x1  }
0x99: {  	s4 =	simm.s32 $_scs_section_size  }
0x9a: {  	s5 =	simm.s32 $_size__tile_overlayer_lowered;
	s6 =	simm.s32 $_tile_overlayer_lowered  }
0x9b: {  	s22 =	simm.s32 $0x1BFF;
	s21 =	sshll.u32 s6, $0x1;
	s3 =	sadd.s32 s4, s19  }
0x9c: {  	s7 =	simm.s32 $0x0;
	s20 =	sshll.u32 s5, $0x1;
	s5 =	sadd.s32 s21, s3  }
0x9d: {  	[timem:s7], [sflag:s22] =	dma.local [hbm:s5], s20  }
0x9e: {  	_ =	swait.ge [sflag:s22], s20  }
0x9f: {  	s4 =	ssub.s32 $0x0, s20;
	[sflag:s22] =	ssyncset.done $0x0  }
0xa0: {  	[sflag:s22] =	ssyncadd.s32 s4;
	_ =	sdelay $0x1  }
0xa1: {  	s23 =	simm.s32 $0x1B8B  }
0xa2: {  	_ =	swait.ge [sflag:s23], $0x1  }
0xa3: {  	[sflag:s23] =	ssyncset.done $0x0  }
0xa4: {  	s25 =	simm.s32 $0x1B8E;
	s24 =	sld [smem:$0x3FFE];
	[sflag:s23] =	ssyncadd.s32 $0xFFFFFFFF  }
0xa5: {  	s26 =	simm.s32 $execute0_lowered;
	[smem:$0x3FD2] =	sst s25  }
0xa6: {  	s5 =	sshll.u32 s26, $0x1;
	_ =	strace $0x80000046;
	[dreg:$0x1] =	wrdreg $0xFFFFFFFF  }
0xa7: {  	s28 =	simm.s32 $_size_execute0_lowered;
	s3 =	sadd.s32 s3, s5;
	[dreg:$0x0] =	wrdreg $0x0  }
0xa8: {  	s5 =	sshll.u32 s28, $0x1;
	[dreg:$0x2] =	wrdreg s3  }
0xa9: {  	[dreg:$0x3] =	wrdreg s5  }
0xaa: {  	[dreg:$0x4] =	wrdreg $0xC0  }
0xab: {  	_ =	task [dreg:s7], $0x5FFFF  }
0xac: {  	[dreg:$0x1] =	wrdreg $0xFFFFFFFF  }
0xad: {  	[dreg:$0x0] =	wrdreg $0x60  }
0xae: {  	[dreg:$0x2] =	wrdreg s2  }
0xaf: {  	[dreg:$0x3] =	wrdreg s24  }
0xb0: {  	[dreg:$0x4] =	wrdreg $0x9  }
0xb1: {  	_ =	task.clear_ibuf [dreg:s7], $0x5FFFF;
	_ =	strace $0x90000046  }
0xb2: {  	s29 =	simm.s32 $0x9;
	_ =	strace $0x80000048  }
0xb3: {  	_ =	swait.ge [sflag:s29], $0x1  }
0xb4: {  	[sflag:s29] =	ssyncadd.s32 $0xFFFFFFFF  }
0xb5: {  	_ =	strace $0x90000048  }
0xb6: {  	_ =	sfence  }
0xb7: {  	s30 =	sld [smem:$0x0];
	_ =	sdelay $0x2  }
0xb8: {  	s31 =	sshll.u32 s1, $0xD;
	s1 =	sshrl.u32 s1, $0x2  }
0xb9: {  	s3 =	sand.u32 $0x4000, s31;
	s1 =	sadd.s32 s1, s30  }
0xba: {  	s0 =	sor.u32 s3, s0;
	s1 =	sshll.u32 s1, $0x11  }
0xbb: {  	s0 =	sor.u32 s1, s0  }
0xbc: {  	s0 =	sadd.s32 $0x8F2B, s0  }
0xbd: {  	[sflag:s0] =	ssyncadd.remote.s32 $0x1  }
0xbe: {  	_ =	sfence.sel $0xFFFF  }
0xbf: {  	[dreg:$0x0] =	wrdreg $0xFFFFFFFF;
	(pc) =	sbr.abs _section_cstart, $3  }
0xc0: {  	[dreg:$0x1] =	wrdreg $0xFFFFFFFF  }
0xc1: {  	_ =	task.clear_ibuf [dreg:s7], $0x2FFFF;
	_ =	strace $0x9FFFFFFF  }
0xc2: {  	(tm) =	ssettm $0x7FFFFFFF  }
0xc3: {  	_ =	shalt  }
tec
execute0_lowered:
.L_overlay_start_1:
0x0: {  	(tag) =	ssettag $0x1  }
0x1: {  	s0 =	rddreg [dreg:$0x0]  }
0x2: {  	s1 =	rddreg [dreg:$0x1];
	s2 =	simm.s32 $0x0  }
0x3: {  	s3 =	srdreg.scid;
	s5 =	stileid.u32;
	s12 =	simm.s32 $0x3  }
0x4: {  	s14 =	simm.s32 $0x1000;
	s15 =	simm.s32 $0x1800;
	s16 =	simm.s32 $0x2000  }
0x5: {  	s17 =	simm.s32 $0x4000;
	s18 =	simm.s32 $0x2010;
	s19 =	simm.s32 $0xA010  }
0x6: {  	s20 =	simm.s32 $0x6010;
	s21 =	simm.s32 $0xE010;
	s22 =	simm.s32 $0x1  }
0x7: {  	s23 =	simm.s32 $0x2;
	s24 =	simm.s32 $0x12010;
	s25 =	simm.s32 $0x0  }
0x8: {  	[smem:$0x7FF] =	sst s2;
	s4 =	sand.u32 $0x1, s3;
	s5 =	sshll.u32 s5, $0xC  }
0x9: {  	s3 =	sadd.s32 $0x8001400, s1;
	s6 =	sshll.u32 s4, $0xB;
	s7 =	ssub.s32 $0x2, s4  }
0xa: {  	v0 =	vlaneseq.u32;
	_ =	strace $0x80000047;
	s4 =	sor.u32 s6, s5;
	s8 =	sshrl.u32 s7, $0x1  }
0xb: {  	v0 =	vmul.u32 $0x20, v0;
	s5 =	sadd.s32 $0x1400, s1;
	s9 =	sshrl.u32 s4, $0x3;
	s31 =	ssub.s32 s7, s8  }
0xc: {  	s6 =	sadd.s32 $0x1600, s1;
	s7 =	sadd.s32 s0, s9;
	s11 =	smax.u32 s31, $0x1  }
0xd: {  	v1 =	vor.u32 $0x1, v0;
	s8 =	sadd.s32 $0x2000, s7;
	s9 =	sadd.s32 $0x4000, s7;
	s10 =	sadd.s32 $0x6000, s7  }
.LBB2_1:
0xe: {  	[tilespmem:s2], [sflag:$0x3] =	stream.linear.gather [hbm4b:s7+s2], $0x800, $0x38;
	[tilespmem:$0x1A010] =	vst v63  }
0xf: {  	_ =	swait.ge [sflag:s12], $0x800  }
0x10: {  	[sflag:s12] =	ssyncset.done $0x0  }
0x11: {  	s0 =	simm.s32 $0x800;
	[sflag:s12] =	ssyncadd.s32 $0xFFFFF800  }
0x12: {  	[tilespmem:s0], [sflag:$0x3] =	stream.linear.gather [hbm4b:s8+s2], $0x800, $0x38;
	[tilespmem:$0x1A010] =	vst v63  }
0x13: {  	_ =	swait.ge [sflag:s12], $0x800  }
0x14: {  	[sflag:s12] =	ssyncset.done $0x0  }
0x15: {  	[sflag:s12] =	ssyncadd.s32 $0xFFFFF800  }
0x16: {  	[tilespmem:s14], [sflag:$0x3] =	stream.linear.gather [hbm4b:s9+s2], $0x800, $0x38;
	[tilespmem:$0x1A010] =	vst v63  }
0x17: {  	_ =	swait.ge [sflag:s12], $0x800  }
0x18: {  	[sflag:s12] =	ssyncset.done $0x0  }
0x19: {  	[sflag:s12] =	ssyncadd.s32 $0xFFFFF800  }
0x1a: {  	[tilespmem:s15], [sflag:$0x3] =	stream.linear.gather [hbm4b:s10+s2], $0x800, $0x38;
	[tilespmem:$0x1A010] =	vst v63  }
0x1b: {  	_ =	swait.ge [sflag:s12], $0x800  }
0x1c: {  	[sflag:s12] =	ssyncset.done $0x0  }
0x1d: {  	[sflag:s12] =	ssyncadd.s32 $0xFFFFF800  }
0x1e: {  	[tilespmem:s16], [sflag:$0x3] =	stream.linear.gather [hbm4b:s5+s2], $0x10, $0x38;
	[tilespmem:$0x1A010] =	vst v63  }
0x1f: {  	_ =	swait.ge [sflag:s12], $0x10  }
0x20: {  	[sflag:s12] =	ssyncset.done $0x0  }
0x21: {  	p1 =	por $0x1, $0x1;
	s26 =	simm.s32 $0x0;
	[sflag:s12] =	ssyncadd.s32 $0xFFFFFFF0  }
.LBB2_2:
0x22: {  	s0 =	sshll.u32 s26, $0x2  }
0x23: {  	s0 =	sshra.s32 s0, $0x2  }
0x24: {  	s0 =	sadd.s32 $0x1800, s0  }
0x25: {  	p0 =	por p1, p1;
	s1 =	simm.s32 $0x0;
	s29 =	simm.s32 $0x0;
	v2 =	vmov s0  }
.LBB2_3:
0x26: {  	_ =	sdelay $0x1  }
0x27: {  	v3 =	vmov s29  }
0x28: {  	s30 =	simm.s32 $0x0  }
0x29: {  	v4 =	vld.idx.msk [tilespmem:v2+s30+$0xFFFFF800 ss:$0x1], $0xffff  }
0x2a: {  	v5 =	vld.idx.msk [tilespmem:v2+s30+$0xFFFFF000 ss:$0x1], $0xffff  }
0x2b: {  	v6 =	vld.idx.msk [tilespmem:v2+s30+$0xFFFFE800 ss:$0x1], $0xffff  }
0x2c: {  	v3 =	vld.idx.msk [tilespmem:v3+s16+$0x0], $0xffff  }
0x2d: {  	v7 =	vld.idx.msk [tilespmem:v2+s30+$0x0 ss:$0x1], $0xffff;
	_ =	sdelay $0x3  }
0x2e: {  	v5 =	vmul.f32 v5, v3;
	v4 =	vmul.f32 v4, v3  }
0x2f: {  	v6 =	vmul.f32 v6, v3;
	v7 =	vmul.f32 v7, v3  }
0x30: {  	v5 =	vtrunc.f32 v5;
	v4 =	vtrunc.f32 v4  }
0x31: {  	v6 =	vtrunc.f32 v6;
	v7 =	vtrunc.f32 v7  }
0x32: {  	v4 =	vcvt.f32.s32 v4;
	v5 =	vcvt.f32.s32 v5  }
0x33: {  	s0 =	sshll.u32 s29, $0x14;
	v6 =	vcvt.f32.s32 v6;
	v7 =	vcvt.f32.s32 v7  }
0x34: {  	v13 =	vmul.u32 $0x30025795, v4;
	v4 =	vmov s0;
	v10 =	vmul.u32 $0x9E3779B1, v5  }
0x35: {  	v12 =	vadd.s32 $0x1, v6;
	v8 =	vmul.u32 $0xDB06C2F5, v7;
	v5 =	vor.u32 $0x1, v4  }
0x36: {  	v9 =	vadd.s32 $0x30025795, v13;
	v14 =	vadd.s32 $0x9E3779B1, v10;
	v17 =	vxor.u32 v6, v10  }
0x37: {  	v10 =	vxor.u32 v12, v10;
	v7 =	vxor.u32 v13, v17;
	v11 =	vxor.u32 v6, v14  }
0x38: {  	v15 =	vxor.u32 v12, v14;
	v6 =	vadd.s32 $0xDB06C2F5, v8;
	v14 =	vxor.u32 v8, v7  }
0x39: {  	v12 =	vxor.u32 v13, v11;
	v18 =	vxor.u32 v7, v6;
	v7 =	vxor.u32 v13, v10  }
0x3a: {  	s0 =	simm.s32 $0x40;
	v16 =	vshll.u32 v14, $0x1;
	v14 =	vxor.u32 v17, v9;
	v17 =	vxor.u32 v9, v15  }
.LBB2_4:
0x3b: {  	p1 =	sne.s32 s0, $0xFC0;
	v13 =	vxor.u32 v13, v15;
	v11 =	vxor.u32 v9, v11;
	v15 =	vxor.u32 v6, v17;
	s28 =	smov.u32 s0;
	s0 =	sadd.s32 $0x40, s0  }
0x3c: {  	v19 =	vxor.u32 v8, v12;
	v17 =	vxor.u32 v8, v17;
	v18 =	vshll.u32 v18, $0x1  }
0x3d: {  	v20 =	vxor.u32 v8, v7;
	v21 =	vxor.u32 v6, v14;
	v18 =	vand.u32 $0xFFFFE, v18  }
0x3e: {  	v16 =	vand.u32 $0xFFFFE, v16;
	v22 =	vor.u32 v4, v18;
	v18 =	vor.u32 v5, v18  }
0x3f: {  	v20 =	vshll.u32 v20, $0x1;
	v23 =	vxor.u32 v8, v11;
	v17 =	vshll.u32 v17, $0x1;
	[tilespmem:s30+$0x8010] =	vst v18  }
0x40: {  	v20 =	vand.u32 $0xFFFFE, v20;
	v17 =	vand.u32 $0xFFFFE, v17;
	v18 =	vor.u32 v4, v16;
	[tilespmem:s30+$0x4010] =	vst v22  }
0x41: {  	v14 =	vxor.u32 v8, v14;
	[tilespmem:s30+$0x2010] =	vst v18;
	v18 =	vor.u32 v4, v20;
	v20 =	vor.u32 v5, v20  }
0x42: {  	v21 =	vshll.u32 v21, $0x1;
	v11 =	vxor.u32 v6, v11;
	[tilespmem:s30+$0x2410] =	vst v18;
	v18 =	vor.u32 v5, v17  }
0x43: {  	v12 =	vxor.u32 v6, v12;
	v17 =	vor.u32 v4, v17;
	[tilespmem:s30+$0x7C10] =	vst v18;
	v18 =	vxor.u32 v6, v13  }
0x44: {  	v19 =	vshll.u32 v19, $0x1;
	v13 =	vxor.u32 v8, v13;
	[tilespmem:s30+$0x3C10] =	vst v17;
	v17 =	vshll.u32 v18, $0x1  }
0x45: {  	v12 =	vshll.u32 v12, $0x1;
	v15 =	vshll.u32 v15, $0x1;
	v18 =	vand.u32 $0xFFFFE, v19;
	[tilespmem:s30+$0x6410] =	vst v20  }
0x46: {  	v13 =	vshll.u32 v13, $0x1;
	v19 =	vor.u32 v4, v18;
	v18 =	vor.u32 v5, v18  }
0x47: {  	v12 =	vand.u32 $0xFFFFE, v12;
	v15 =	vand.u32 $0xFFFFE, v15;
	v17 =	vand.u32 $0xFFFFE, v17;
	[tilespmem:s30+$0x6810] =	vst v18  }
0x48: {  	v13 =	vand.u32 $0xFFFFE, v13;
	v18 =	vand.u32 $0xFFFFE, v21;
	[tilespmem:s30+$0x2810] =	vst v19;
	v19 =	vor.u32 v5, v15  }
0x49: {  	v16 =	vor.u32 v5, v16;
	v20 =	vor.u32 v4, v13;
	v21 =	vor.u32 v4, v12;
	[tilespmem:s30+$0x9C10] =	vst v19  }
0x4a: {  	v9 =	vxor.u32 v10, v9;
	v10 =	vor.u32 v4, v15;
	v13 =	vor.u32 v5, v13;
	[tilespmem:s30+$0x6010] =	vst v16  }
0x4b: {  	v12 =	vor.u32 v5, v12;
	v15 =	vor.u32 v4, v17;
	v16 =	vor.u32 v5, v17;
	[tilespmem:s30+$0x2C10] =	vst v20  }
0x4c: {  	v8 =	vxor.u32 v8, v9;
	v9 =	vxor.u32 v6, v9;
	[tilespmem:s30+$0x6C10] =	vst v13;
	v13 =	vor.u32 v4, v18  }
0x4d: {  	v14 =	vshll.u32 v14, $0x1;
	v9 =	vshll.u32 v9, $0x1;
	[tilespmem:s30+$0x5010] =	vst v13;
	v13 =	vor.u32 v5, v18  }
0x4e: {  	v14 =	vand.u32 $0xFFFFE, v14;
	v9 =	vand.u32 $0xFFFFE, v9;
	v17 =	vshll.u32 v23, $0x1;
	[tilespmem:s30+$0x8810] =	vst v12  }
0x4f: {  	v8 =	vshll.u32 v8, $0x1;
	v12 =	vor.u32 v4, v14;
	v14 =	vor.u32 v5, v14;
	[tilespmem:s30+$0x8C10] =	vst v16  }
0x50: {  	v16 =	vor.u32 v4, v9;
	v9 =	vor.u32 v5, v9;
	[tilespmem:s30+$0x7010] =	vst v14;
	v14 =	vand.u32 $0xFFFFE, v17  }
0x51: {  	v11 =	vshll.u32 v11, $0x1;
	v8 =	vand.u32 $0xFFFFE, v8;
	[tilespmem:s30+$0x5410] =	vst v16  }
0x52: {  	v16 =	vor.u32 v4, v8;
	v8 =	vor.u32 v5, v8;
	v17 =	vor.u32 v4, v14;
	[tilespmem:s30+$0x9410] =	vst v9  }
0x53: {  	v9 =	vand.u32 $0xFFFFE, v11;
	[tilespmem:s30+$0x7410] =	vst v8;
	v8 =	vor.u32 v5, v14  }
0x54: {  	v11 =	vor.u32 v4, v9;
	v9 =	vor.u32 v5, v9;
	[tilespmem:s30+$0x4810] =	vst v21  }
0x55: {  	[tilespmem:s30+$0x5810] =	vst v11  }
0x56: {  	[tilespmem:s30+$0x9810] =	vst v9  }
0x57: {  	v6 =	vxor.u32 v7, v6;
	[tilespmem:s30+$0x3410] =	vst v16  }
0x58: {  	v6 =	vshll.u32 v6, $0x1;
	[tilespmem:s30+$0x5C10] =	vst v10  }
0x59: {  	v6 =	vand.u32 $0xFFFFE, v6;
	[tilespmem:s30+$0x7810] =	vst v8  }
0x5a: {  	v7 =	vor.u32 v4, v6;
	v6 =	vor.u32 v5, v6;
	[tilespmem:s30+$0x3010] =	vst v12  }
0x5b: {  	[tilespmem:s30+$0x8410] =	vst v6  }
0x5c: {  	[tilespmem:s30+$0x3810] =	vst v17  }
0x5d: {  	[tilespmem:s30+$0x9010] =	vst v13  }
0x5e: {  	[tilespmem:s30+$0x4C10] =	vst v15  }
0x5f: {  	[tilespmem:s30+$0x4410] =	vst v7;
	s30 =	sshra.s32 s28, $0x2  }
0x60: {  	v6 =	vld.idx.msk [tilespmem:v2+s30+$0xFFFFF800 ss:$0x1], $0xffff  }
0x61: {  	v7 =	vld.idx.msk [tilespmem:v2+s30+$0xFFFFF000 ss:$0x1], $0xffff  }
0x62: {  	v8 =	vld.idx.msk [tilespmem:v2+s30+$0xFFFFE800 ss:$0x1], $0xffff  }
0x63: {  	v9 =	vld.idx.msk [tilespmem:v2+s30+$0x0 ss:$0x1], $0xffff;
	_ =	sdelay $0x3  }
0x64: {  	v6 =	vmul.f32 v6, v3;
	v7 =	vmul.f32 v7, v3  }
0x65: {  	v8 =	vmul.f32 v8, v3  }
0x66: {  	v6 =	vtrunc.f32 v6;
	v7 =	vtrunc.f32 v7  }
0x67: {  	v6 =	vcvt.f32.s32 v6;
	v9 =	vmul.f32 v9, v3  }
0x68: {  	v8 =	vtrunc.f32 v8;
	v7 =	vcvt.f32.s32 v7  }
0x69: {  	v10 =	vcvt.f32.s32 v8;
	v13 =	vmul.u32 $0x30025795, v6;
	v6 =	vtrunc.f32 v9  }
0x6a: {  	v7 =	vmul.u32 $0x9E3779B1, v7;
	v6 =	vcvt.f32.s32 v6  }
0x6b: {  	v12 =	vadd.s32 $0x1, v10;
	v9 =	vadd.s32 $0x30025795, v13  }
.Ltmp0:
0x6c: {  	v14 =	vadd.s32 $0x9E3779B1, v7;
	v8 =	vmul.u32 $0xDB06C2F5, v6;
	v17 =	vxor.u32 v10, v7;
	(pc) =	sbr.rel @p1 .LBB2_4-.Ltmp0, $4  }
0x6d: {  	v18 =	vxor.u32 v13, v17;
	v11 =	vxor.u32 v10, v14;
	v15 =	vxor.u32 v12, v14  }
0x6e: {  	v10 =	vxor.u32 v12, v7;
	v6 =	vadd.s32 $0xDB06C2F5, v8;
	v14 =	vxor.u32 v8, v18  }
0x6f: {  	v12 =	vxor.u32 v13, v11;
	v16 =	vshll.u32 v14, $0x1;
	v18 =	vxor.u32 v18, v6  }
0x70: {  	v7 =	vxor.u32 v13, v10;
	v14 =	vxor.u32 v17, v9;
	v17 =	vxor.u32 v9, v15  }
0x71: {  	v18 =	vshll.u32 v18, $0x1  }
0x72: {  	v18 =	vand.u32 $0xFFFFE, v18  }
0x73: {  	v19 =	vxor.u32 v8, v17;
	v20 =	vxor.u32 v8, v7;
	v21 =	vor.u32 v5, v18  }
0x74: {  	v16 =	vand.u32 $0xFFFFE, v16;
	v20 =	vshll.u32 v20, $0x1;
	v18 =	vor.u32 v4, v18;
	[tilespmem:s30+$0x8010] =	vst v21  }
0x75: {  	v13 =	vxor.u32 v13, v15;
	v20 =	vand.u32 $0xFFFFE, v20;
	v21 =	vor.u32 v4, v16;
	[tilespmem:s30+$0x4010] =	vst v18  }
0x76: {  	v17 =	vxor.u32 v6, v17;
	v19 =	vshll.u32 v19, $0x1;
	v18 =	vor.u32 v4, v20;
	[tilespmem:s30+$0x2010] =	vst v21  }
0x77: {  	v10 =	vxor.u32 v10, v9;
	v15 =	vand.u32 $0xFFFFE, v19;
	v16 =	vor.u32 v5, v16;
	[tilespmem:s30+$0x2410] =	vst v18  }
0x78: {  	v9 =	vxor.u32 v9, v11;
	v19 =	vxor.u32 v8, v12;
	v18 =	vor.u32 v5, v15;
	[tilespmem:s30+$0x6010] =	vst v16  }
0x79: {  	v17 =	vshll.u32 v17, $0x1;
	v15 =	vor.u32 v4, v15;
	[tilespmem:s30+$0x7C10] =	vst v18;
	v18 =	vshll.u32 v19, $0x1  }
0x7a: {  	v17 =	vand.u32 $0xFFFFE, v17;
	v19 =	vor.u32 v5, v20;
	[tilespmem:s30+$0x3C10] =	vst v15;
	v15 =	vand.u32 $0xFFFFE, v18  }
0x7b: {  	v12 =	vxor.u32 v6, v12;
	v20 =	vxor.u32 v8, v13;
	[tilespmem:s30+$0x6410] =	vst v19;
	v19 =	vor.u32 v5, v15  }
0x7c: {  	v12 =	vshll.u32 v12, $0x1;
	v15 =	vor.u32 v4, v15;
	[tilespmem:s30+$0x6810] =	vst v19;
	v19 =	vshll.u32 v20, $0x1  }
0x7d: {  	v21 =	vxor.u32 v6, v14;
	[tilespmem:s30+$0x2810] =	vst v15;
	v15 =	vor.u32 v5, v17;
	v19 =	vand.u32 $0xFFFFE, v19  }
0x7e: {  	v14 =	vxor.u32 v8, v14;
	v18 =	vshll.u32 v21, $0x1;
	[tilespmem:s30+$0x9C10] =	vst v15;
	v15 =	vor.u32 v4, v19  }
0x7f: {  	v12 =	vand.u32 $0xFFFFE, v12;
	v16 =	vand.u32 $0xFFFFE, v18;
	v18 =	vor.u32 v5, v19;
	[tilespmem:s30+$0x2C10] =	vst v15  }
0x80: {  	v13 =	vxor.u32 v6, v13;
	v14 =	vshll.u32 v14, $0x1;
	[tilespmem:s30+$0x6C10] =	vst v18;
	v15 =	vor.u32 v4, v16  }
0x81: {  	v13 =	vshll.u32 v13, $0x1;
	v14 =	vand.u32 $0xFFFFE, v14;
	v18 =	vor.u32 v5, v12;
	[tilespmem:s30+$0x5010] =	vst v15  }
0x82: {  	v13 =	vand.u32 $0xFFFFE, v13;
	v19 =	vxor.u32 v6, v10;
	v12 =	vor.u32 v4, v12;
	[tilespmem:s30+$0x8810] =	vst v18  }
0x83: {  	v10 =	vxor.u32 v8, v10;
	v19 =	vshll.u32 v19, $0x1;
	v15 =	vor.u32 v5, v13;
	[tilespmem:s30+$0x4810] =	vst v12  }
0x84: {  	v8 =	vxor.u32 v8, v9;
	v18 =	vand.u32 $0xFFFFE, v19;
	v19 =	vor.u32 v5, v14;
	[tilespmem:s30+$0x8C10] =	vst v15  }
0x85: {  	v8 =	vshll.u32 v8, $0x1;
	[tilespmem:s30+$0x7010] =	vst v19;
	v11 =	vor.u32 v4, v18  }
0x86: {  	v10 =	vshll.u32 v10, $0x1;
	v8 =	vand.u32 $0xFFFFE, v8;
	v18 =	vor.u32 v5, v18;
	[tilespmem:s30+$0x5410] =	vst v11  }
0x87: {  	v15 =	vxor.u32 v6, v9;
	v6 =	vxor.u32 v7, v6;
	v7 =	vor.u32 v5, v8;
	[tilespmem:s30+$0x9410] =	vst v18  }
0x88: {  	v10 =	vand.u32 $0xFFFFE, v10;
	v8 =	vor.u32 v4, v8;
	[tilespmem:s30+$0x7810] =	vst v7  }
0x89: {  	v11 =	vshll.u32 v15, $0x1;
	v15 =	vor.u32 v5, v10;
	[tilespmem:s30+$0x3810] =	vst v8  }
0x8a: {  	v10 =	vor.u32 v4, v10;
	[tilespmem:s30+$0x7410] =	vst v15;
	v11 =	vand.u32 $0xFFFFE, v11  }
0x8b: {  	v6 =	vshll.u32 v6, $0x1;
	[tilespmem:s30+$0x3410] =	vst v10;
	v12 =	vor.u32 v4, v11  }
0x8c: {  	v6 =	vand.u32 $0xFFFFE, v6;
	v9 =	vor.u32 v5, v11;
	[tilespmem:s30+$0x5810] =	vst v12  }
0x8d: {  	v7 =	vor.u32 v5, v6;
	[tilespmem:s30+$0x9810] =	vst v9  }
0x8e: {  	v5 =	vor.u32 v5, v16;
	[tilespmem:s30+$0x8410] =	vst v7  }
0x8f: {  	v9 =	vor.u32 v4, v17;
	[tilespmem:s30+$0x9010] =	vst v5  }
0x90: {  	v7 =	vor.u32 v4, v13;
	[tilespmem:s30+$0x5C10] =	vst v9  }
0x91: {  	v9 =	vor.u32 v4, v14;
	[tilespmem:s30+$0x4C10] =	vst v7  }
0x92: {  	v4 =	vor.u32 v4, v6;
	[tilespmem:s30+$0x3010] =	vst v9  }
0x93: {  	[tilespmem:s30+$0x4410] =	vst v4  }
0x94: {  	[tilespmem:s19], [sflag:$0x1] =	stream.indirect.gather [hbm4b:s3+s17], $0x1, s18, s17, $0xb8;
	[tilespmem:$0x1A010] =	vst v63  }
0x95: {  	_ = 	snop  }
0x96: {  	[tilespmem:s21], [sflag:$0x2] =	stream.indirect.gather [hbm4b:s3+s17], $0x1, s20, s17, $0xb8;
	[tilespmem:$0x1A010] =	vst v63  }
0x97: {  	_ =	swait.ge [sflag:s22], $0x4000  }
0x98: {  	[sflag:s22] =	ssyncset.done $0x0  }
0x99: {  	[sflag:s22] =	ssyncadd.s32 $0xFFFFC000  }
0x9a: {  	_ =	swait.ge [sflag:s23], $0x4000  }
0x9b: {  	[sflag:s23] =	ssyncset.done $0x0  }
0x9c: {  	s30 =	simm.s32 $0x0;
	[sflag:s23] =	ssyncadd.s32 $0xFFFFC000  }
0x9d: {  	v4 =	vld.idx.msk [tilespmem:v2+s30+$0xFFFFF000 ss:$0x1], $0xffff  }
0x9e: {  	v5 =	vld.idx.msk [tilespmem:v2+s30+$0x0 ss:$0x1], $0xffff  }
0x9f: {  	v6 =	vld.idx.msk [tilespmem:v2+s30+$0xFFFFF800 ss:$0x1], $0xffff  }
0xa0: {  	v7 =	vld.idx.msk [tilespmem:v2+s30+$0xFFFFE800 ss:$0x1], $0xffff;
	_ =	sdelay $0x3  }
0xa1: {  	v4 =	vmul.f32 v4, v3;
	v5 =	vmul.f32 v5, v3  }
0xa2: {  	v6 =	vmul.f32 v6, v3;
	v7 =	vmul.f32 v7, v3  }
0xa3: {  	v8 =	vtrunc.f32 v4;
	v9 =	vtrunc.f32 v5  }
0xa4: {  	v10 =	vtrunc.f32 v6;
	v11 =	vtrunc.f32 v7  }
0xa5: {  	v9 =	vcvt.f32.s32 v9;
	v8 =	vcvt.f32.s32 v8  }
0xa6: {  	v11 =	vcvt.f32.s32 v11;
	v10 =	vcvt.f32.s32 v10  }
0xa7: {  	v8 =	vcvt.s32.f32 v8;
	v9 =	vcvt.s32.f32 v9  }
0xa8: {  	v11 =	vcvt.s32.f32 v11;
	v10 =	vcvt.s32.f32 v10  }
0xa9: {  	v4 =	vsub.f32 v4, v8;
	v8 =	vsub.f32 v5, v9  }
0xaa: {  	v7 =	vsub.f32 v7, v11;
	v6 =	vsub.f32 v6, v10  }
0xab: {  	v12 =	vld [tilespmem:s30+$0xE410];
	v10 =	vsub.f32 $1.000000000e+00, v4;
	v11 =	vsub.f32 $1.000000000e+00, v8  }
0xac: {  	v15 =	vld [tilespmem:s30+$0xA410];
	v13 =	vsub.f32 $1.000000000e+00, v7;
	v14 =	vsub.f32 $1.000000000e+00, v6  }
0xad: {  	v9 =	vld [tilespmem:s30+$0xA010]  }
0xae: {  	v16 =	vld [tilespmem:s30+$0xE010];
	v5 =	vmul.f32 v10, v13;
	v17 =	vmul.f32 v11, v14  }
0xaf: {  	v18 =	vld [tilespmem:s30+$0xE810];
	v19 =	vmul.f32 v4, v7;
	v10 =	vmul.f32 v10, v7  }
0xb0: {  	v20 =	vld [tilespmem:s30+$0xA810];
	v11 =	vmul.f32 v11, v6;
	v7 =	vmul.f32 v17, v5  }
0xb1: {  	v21 =	vld [tilespmem:s30+$0xEC10];
	v22 =	vmul.f32 v4, v13;
	v27 =	vmul.f32 v8, v14  }
0xb2: {  	v24 =	vld [tilespmem:s30+$0xF010];
	v13 =	vmul.f32 v17, v10;
	v9 =	vmul.f32 v7, v9  }
0xb3: {  	v23 =	vmul.f32 v17, v19;
	v7 =	vmul.f32 v7, v16;
	v16 =	vld [tilespmem:s30+$0xAC10]  }
0xb4: {  	v26 =	vld [tilespmem:s30+$0xF410];
	v17 =	vmul.f32 v17, v22;
	v15 =	vmul.f32 v13, v15;
	v9 =	vadd.f32 $0.0e+00, v9  }
0xb5: {  	v25 =	vmul.f32 v11, v10;
	v12 =	vmul.f32 v13, v12;
	v13 =	vld [tilespmem:s30+$0xB010];
	v7 =	vadd.f32 $0.0e+00, v7  }
0xb6: {  	v62 =	vld [tilespmem:s30+$0xC010];
	v21 =	vmul.f32 v21, v23;
	v20 =	vmul.f32 v17, v20;
	v15 =	vadd.f32 v9, v15  }
0xb7: {  	v9 =	vmul.f32 v8, v6;
	v6 =	vmul.f32 v17, v18;
	v7 =	vadd.f32 v7, v12;
	v12 =	vld [tilespmem:s30+$0xB410]  }
0xb8: {  	v17 =	vmul.f32 v11, v5;
	v18 =	vld [tilespmem:s30+$0xF810];
	v16 =	vmul.f32 v23, v16;
	v15 =	vadd.f32 v15, v20  }
0xb9: {  	v23 =	vmul.f32 v11, v19;
	v20 =	vmul.f32 v11, v22;
	v7 =	vadd.f32 v7, v6;
	v11 =	vld [tilespmem:s30+$0xB810]  }
0xba: {  	v13 =	vmul.f32 v13, v17;
	v8 =	vmul.f32 v24, v17;
	v17 =	vld [tilespmem:s30+$0xBC10];
	v15 =	vadd.f32 v15, v16  }
0xbb: {  	v61 =	vmul.f32 v27, v5;
	v16 =	vld [tilespmem:s30+$0xFC10];
	v14 =	vadd.f32 v7, v21  }
0xbc: {  	v6 =	vmul.f32 v9, v10;
	v12 =	vmul.f32 v12, v25;
	v13 =	vadd.f32 v15, v13;
	v15 =	vld [tilespmem:s30+$0x10010]  }
0xbd: {  	v4 =	vld [tilespmem:s30+$0x10C10];
	v7 =	vmul.f32 v9, v22;
	v21 =	vmul.f32 v26, v25;
	v14 =	vadd.f32 v14, v8  }
0xbe: {  	v8 =	vmul.f32 v9, v19;
	v63 =	vmul.f32 v11, v20;
	v13 =	vadd.f32 v13, v12;
	v12 =	vld [tilespmem:s30+$0x10410]  }
0xbf: {  	v20 =	vmul.f32 v18, v20;
	v11 =	vmul.f32 v27, v10;
	v21 =	vadd.f32 v21, v14;
	v14 =	vld [tilespmem:s30+$0xC410]  }
0xc0: {  	v17 =	vmul.f32 v17, v23;
	v18 =	vmul.f32 v16, v23;
	v16 =	vld [tilespmem:s30+$0xC810];
	v26 =	vadd.f32 v63, v13  }
0xc1: {  	v10 =	vmul.f32 v27, v19;
	v13 =	vld [tilespmem:s30+$0x10810];
	v20 =	vadd.f32 v20, v21;
	v19 =	vmul.f32 v15, v61  }
0xc2: {  	s0 =	simm.s32 $0x40;
	s28 =	smov.u32 s1;
	s31 =	smov.u32 s1;
	v15 =	vmul.f32 v27, v22;
	v22 =	vmul.f32 v62, v61;
	v21 =	vadd.f32 v17, v26;
	v17 =	vld [tilespmem:s30+$0xCC10]  }
.LBB2_6:
0xc3: {  	p1 =	sne.s32 s0, $0xFC0  }
0xc4: {  	v18 =	vadd.f32 v18, v20;
	v12 =	vmul.f32 v12, v11;
	v5 =	vmul.f32 v9, v5;
	s28 =	sadd.s32 $0x200, s28;
	s13 =	smov.u32 s0;
	s0 =	sadd.s32 $0x40, s0  }
0xc5: {  	v9 =	vadd.f32 v22, v21;
	v11 =	vmul.f32 v14, v11;
	v14 =	vld [tilespmem:s30+$0x11010]  }
0xc6: {  	v18 =	vadd.f32 v19, v18;
	v13 =	vmul.f32 v13, v15;
	v19 =	vld [tilespmem:s30+$0xD010]  }
0xc7: {  	s13 =	sshra.s32 s13, $0x2;
	v9 =	vadd.f32 v11, v9;
	v11 =	vmul.f32 v16, v15  }
0xc8: {  	v12 =	vadd.f32 v12, v18;
	v15 =	vmul.f32 v17, v10;
	v16 =	vld [tilespmem:s30+$0xD410]  }
0xc9: {  	v4 =	vmul.f32 v4, v10;
	v9 =	vadd.f32 v11, v9;
	v10 =	vld [tilespmem:s30+$0x11410]  }
0xca: {  	v11 =	vadd.f32 v13, v12;
	v12 =	vmul.f32 v14, v5;
	v13 =	vld [tilespmem:s30+$0xD810]  }
0xcb: {  	v9 =	vadd.f32 v15, v9;
	v5 =	vmul.f32 v19, v5;
	v14 =	vld [tilespmem:s30+$0x11810]  }
0xcc: {  	v4 =	vadd.f32 v4, v11;
	v11 =	vld [tilespmem:s30+$0xDC10]  }
0xcd: {  	v5 =	vadd.f32 v5, v9;
	v9 =	vmul.f32 v16, v6;
	v15 =	vld [tilespmem:s30+$0x11C10];
	s30 =	smov.u32 s13  }
0xce: {  	v4 =	vadd.f32 v12, v4;
	v6 =	vmul.f32 v10, v6  }
0xcf: {  	v5 =	vadd.f32 v9, v5;
	v9 =	vmul.f32 v13, v7  }
0xd0: {  	v4 =	vadd.f32 v6, v4;
	v6 =	vmul.f32 v14, v7;
	v7 =	vor.u32 s31, v0  }
0xd1: {  	v10 =	vor.u32 s31, v1;
	s31 =	smov.u32 s28;
	v5 =	vadd.f32 v9, v5;
	v9 =	vmul.f32 v11, v8  }
0xd2: {  	v4 =	vadd.f32 v6, v4;
	v6 =	vmul.f32 v15, v8  }
0xd3: {  	v5 =	vadd.f32 v9, v5  }
0xd4: {  	v4 =	vadd.f32 v6, v4  }
0xd5: {  	[tilespmem:v7+s24+$0x0] =	vst.idx.msk $0xffff, v5  }
0xd6: {  	[tilespmem:v10+s24+$0x0] =	vst.idx.msk $0xffff, v4  }
0xd7: {  	v4 =	vld.idx.msk [tilespmem:v2+s30+$0xFFFFF000 ss:$0x1], $0xffff  }
0xd8: {  	v5 =	vld.idx.msk [tilespmem:v2+s30+$0x0 ss:$0x1], $0xffff  }
0xd9: {  	v6 =	vld.idx.msk [tilespmem:v2+s30+$0xFFFFF800 ss:$0x1], $0xffff  }
0xda: {  	v7 =	vld.idx.msk [tilespmem:v2+s30+$0xFFFFE800 ss:$0x1], $0xffff  }
0xdb: {  	v8 =	vld [tilespmem:s30+$0xA010]  }
0xdc: {  	v9 =	vld [tilespmem:s30+$0xE410]  }
0xdd: {  	v10 =	vmul.f32 v4, v3;
	v11 =	vld [tilespmem:s30+$0xA410]  }
0xde: {  	v5 =	vmul.f32 v5, v3;
	v12 =	vld [tilespmem:s30+$0xE810]  }
0xdf: {  	v13 =	vtrunc.f32 v10;
	v6 =	vmul.f32 v6, v3;
	v14 =	vld [tilespmem:s30+$0xA810]  }
0xe0: {  	v7 =	vmul.f32 v7, v3;
	v4 =	vtrunc.f32 v5;
	v15 =	vld [tilespmem:s30+$0xEC10]  }
0xe1: {  	v16 =	vtrunc.f32 v6;
	v17 =	vcvt.f32.s32 v4;
	v4 =	vld [tilespmem:s30+$0x10C10]  }
0xe2: {  	v13 =	vcvt.f32.s32 v13;
	v18 =	vtrunc.f32 v7  }
0xe3: {  	v16 =	vcvt.f32.s32 v16;
	v18 =	vcvt.f32.s32 v18  }
0xe4: {  	v13 =	vcvt.s32.f32 v13;
	v17 =	vcvt.s32.f32 v17  }
0xe5: {  	v16 =	vcvt.s32.f32 v16;
	v18 =	vcvt.s32.f32 v18  }
0xe6: {  	v10 =	vsub.f32 v10, v13;
	v13 =	vsub.f32 v5, v17  }
0xe7: {  	v6 =	vsub.f32 v6, v16;
	v5 =	vsub.f32 v7, v18  }
0xe8: {  	v7 =	vsub.f32 $1.000000000e+00, v10;
	v16 =	vsub.f32 $1.000000000e+00, v13  }
0xe9: {  	v18 =	vsub.f32 $1.000000000e+00, v6;
	v17 =	vsub.f32 $1.000000000e+00, v5;
	v19 =	vmul.f32 v10, v5  }
0xea: {  	v20 =	vmul.f32 v7, v5;
	v21 =	vmul.f32 v16, v6;
	v22 =	vld [tilespmem:s30+$0xE010]  }
0xeb: {  	v5 =	vmul.f32 v7, v17;
	v7 =	vmul.f32 v16, v18  }
0xec: {  	v16 =	vmul.f32 v10, v17;
	v10 =	vmul.f32 v21, v20  }
0xed: {  	v17 =	vmul.f32 v7, v5;
	v23 =	vmul.f32 v7, v19  }
0xee: {  	v24 =	vmul.f32 v7, v20;
	v7 =	vmul.f32 v7, v16  }
0xef: {  	v8 =	vmul.f32 v17, v8;
	v15 =	vmul.f32 v15, v23  }
0xf0: {  	v11 =	vmul.f32 v24, v11;
	v17 =	vmul.f32 v17, v22;
	v22 =	vld [tilespmem:s30+$0xAC10]  }
0xf1: {  	v24 =	vmul.f32 v24, v9;
	v14 =	vmul.f32 v7, v14;
	v8 =	vadd.f32 $0.0e+00, v8;
	v25 =	vld [tilespmem:s30+$0xF010]  }
0xf2: {  	v9 =	vmul.f32 v13, v6;
	v7 =	vmul.f32 v7, v12;
	v6 =	vadd.f32 $0.0e+00, v17;
	v12 =	vld [tilespmem:s30+$0xB010]  }
0xf3: {  	v8 =	vadd.f32 v8, v11;
	v11 =	vmul.f32 v21, v5;
	v17 =	vld [tilespmem:s30+$0xF410]  }
0xf4: {  	v27 =	vmul.f32 v21, v16;
	v21 =	vmul.f32 v21, v19;
	v24 =	vadd.f32 v6, v24;
	v26 =	vld [tilespmem:s30+$0xB410]  }
0xf5: {  	v6 =	vmul.f32 v9, v20;
	v8 =	vadd.f32 v8, v14;
	v14 =	vmul.f32 v23, v22;
	v22 =	vld [tilespmem:s30+$0xF810]  }
0xf6: {  	v23 =	vmul.f32 v13, v18;
	v13 =	vadd.f32 v24, v7;
	v18 =	vmul.f32 v25, v11;
	v24 =	vld [tilespmem:s30+$0xB810]  }
0xf7: {  	v7 =	vmul.f32 v9, v16;
	v8 =	vadd.f32 v8, v14;
	v11 =	vmul.f32 v12, v11;
	v14 =	vld [tilespmem:s30+$0xFC10]  }
0xf8: {  	v12 =	vadd.f32 v13, v15;
	v13 =	vmul.f32 v17, v10;
	v15 =	vld [tilespmem:s30+$0xBC10];
	v17 =	vmul.f32 v23, v5  }
0xf9: {  	v25 =	vadd.f32 v8, v11;
	v10 =	vmul.f32 v26, v10;
	v26 =	vld [tilespmem:s30+$0x10010];
	v8 =	vmul.f32 v9, v19  }
0xfa: {  	v18 =	vadd.f32 v12, v18;
	v11 =	vmul.f32 v23, v20;
	v22 =	vmul.f32 v22, v27;
	v28 =	vld [tilespmem:s30+$0xC010]  }
.Ltmp1:
0xfb: {  	v20 =	vadd.f32 v25, v10;
	v24 =	vmul.f32 v24, v27;
	v12 =	vld [tilespmem:s30+$0x10410];
	(pc) =	sbr.rel @p1 .LBB2_6-.Ltmp1, $4  }
0xfc: {  	v25 =	vadd.f32 v13, v18;
	v10 =	vmul.f32 v23, v19;
	v18 =	vmul.f32 v14, v21;
	v14 =	vld [tilespmem:s30+$0xC410]  }
0xfd: {  	v24 =	vadd.f32 v24, v20;
	v21 =	vmul.f32 v15, v21;
	v13 =	vld [tilespmem:s30+$0x10810]  }
0xfe: {  	v20 =	vadd.f32 v22, v25;
	v15 =	vmul.f32 v23, v16;
	v19 =	vmul.f32 v26, v17;
	v16 =	vld [tilespmem:s30+$0xC810]  }
0xff: {  	v21 =	vadd.f32 v21, v24;
	v22 =	vmul.f32 v28, v17;
	v17 =	vld [tilespmem:s30+$0xCC10]  }
0x100: {  	v3 =	vadd.f32 v18, v20  }
0x101: {  	v46 =	vadd.f32 v22, v21;
	v14 =	vmul.f32 v14, v11  }
0x102: {  	v47 =	vmul.f32 v12, v11;
	v48 =	vld [tilespmem:s30+$0xD010];
	v3 =	vadd.f32 v19, v3  }
0x103: {  	v49 =	vld [tilespmem:s30+$0x11010];
	v14 =	vadd.f32 v14, v46;
	v16 =	vmul.f32 v16, v15  }
0x104: {  	v50 =	vld [tilespmem:s30+$0xD410];
	v13 =	vmul.f32 v13, v15;
	v3 =	vadd.f32 v47, v3  }
0x105: {  	v5 =	vmul.f32 v9, v5;
	v52 =	vld [tilespmem:s30+$0x11410];
	v51 =	vmul.f32 v17, v10;
	v14 =	vadd.f32 v16, v14  }
0x106: {  	v4 =	vmul.f32 v4, v10;
	v53 =	vld [tilespmem:s30+$0xD810];
	v3 =	vadd.f32 v13, v3  }
0x107: {  	v54 =	vld [tilespmem:s30+$0x11810];
	v12 =	vmul.f32 v48, v5;
	v9 =	vadd.f32 v51, v14  }
0x108: {  	v55 =	vld [tilespmem:s30+$0xDC10];
	v5 =	vmul.f32 v49, v5;
	v3 =	vadd.f32 v4, v3  }
0x109: {  	v56 =	vld [tilespmem:s30+$0x11C10];
	v11 =	vmul.f32 v50, v6;
	v9 =	vadd.f32 v12, v9  }
0x10a: {  	v57 =	vmul.f32 v52, v6;
	v3 =	vadd.f32 v5, v3  }
0x10b: {  	v59 =	vmul.f32 v53, v7;
	v58 =	vadd.f32 v11, v9  }
0x10c: {  	v61 =	vor.u32 s31, v0;
	s29 =	sadd.s32 $0x1, s29;
	v60 =	vmul.f32 v54, v7;
	v3 =	vadd.f32 v57, v3  }
0x10d: {  	v62 =	vor.u32 s31, v1;
	p1 =	sne.s32 s29, $0x10;
	v4 =	vmul.f32 v55, v8;
	v6 =	vadd.f32 v59, v58  }
.Ltmp2:
0x10e: {  	v63 =	vmul.f32 v56, v8;
	v3 =	vadd.f32 v60, v3;
	(pc) =	sbr.rel @p1 .LBB2_3-.Ltmp2, $4  }
0x10f: {  	v4 =	vadd.f32 v4, v6  }
0x110: {  	v3 =	vadd.f32 v63, v3  }
0x111: {  	[tilespmem:v61+s24+$0x0] =	vst.idx.msk $0xffff, v4  }
0x112: {  	s1 =	sadd.s32 $0x2, s1;
	[tilespmem:v62+s24+$0x0] =	vst.idx.msk $0xffff, v3  }
0x113: {  	s0 =	sor.u32 s4, s26  }
0x114: {  	s0 =	sshll.u32 s0, $0x2  }
.Ltmp3:
0x115: {  	s0 =	sadd.s32 s6, s0;
	(pc) =	sbr.rel @p0 .LBB2_2-.Ltmp3, $4  }
0x116: {  	[hbm4b:s0+s2] =	stream.linear.scatter [tilespmem:s24], [sflag:$0x3], $0x8000, $0x38;
	[tilespmem:$0x1A010] =	vst v63  }
0x117: {  	_ =	swait.ge [sflag:s12], $0x8000  }
0x118: {  	[sflag:s12] =	ssyncset.done $0x0  }
0x119: {  	s26 =	simm.s32 $0x400;
	p1 =	por $0x0, $0x0;
	[sflag:s12] =	ssyncadd.s32 $0xFFFF8000  }
0x11a: {  	s25 =	sadd.s32 $0x1, s25  }
0x11b: {  	p0 =	sne.s32 s25, s11  }
.Ltmp4:
0x11c: {  	_ = 	snop;
	(pc) =	sbr.rel @p0 .LBB2_1-.Ltmp4, $1  }
0x11d: {  	_ =	sdelay $0x3  }
0x11e: {  	_ =	sfence.sel $0x180000  }
0x11f: {  	[bflag:$0x0] =	sbarrier.arrive $0xFFFF  }
0x120: {  	_ =	strace $0x90000047  }
0x121: {  	s0 =	stileid.u32;
	[bflag:$0x2] =	sbarrier.arrive $0xFFFF  }
0x122: {  	p0 =	sne.s32 s0, $0x0;
	s0 =	rddreg [dreg:$0x2]  }
0x123: {  	s0 =	sadd.s32 @!p0 $0x100000, s0  }
0x124: {  	[sflag:s0] =	ssyncadd.tile.s32 @!p0 $0x1;
	_ =	shalt  }
.Lfunc_end2:
_tile_overlayer_lowered:
.L_overlay_start_2:
0x125: {  	(tag) =	ssettag $0x2  }
0x126: {  	s0 =	rddreg [dreg:$0x0];
	s2 =	stileid.u32  }
0x127: {  	s1 =	rddreg [dreg:$0x1];
	p0 =	sne.s32 s2, $0x0  }
0x128: {  	s3 =	rddreg [dreg:$0x2];
	[bflag:$0x3] =	sbarrier.arrive $0xFFFF;
	s2 =	simm.s32 @!p0 $0x1C03  }
0x129: {  	[timem:s3], [sflag:s2] =	dma.local @!p0 [hbm:s0], s1  }
0x12a: {  	s0 =	simm.s32 @!p0 $0x3  }
0x12b: {  	_ =	swait.ge @!p0 [sflag:s0], s1  }
0x12c: {  	s1 =	ssub.s32 @!p0 $0x0, s1;
	[sflag:s0] =	ssyncset.done @!p0 $0x0  }
0x12d: {  	[sflag:s0] =	ssyncadd.s32 @!p0 s1  }
0x12e: {  	[bflag:$0x3] =	sbarrier.arrive $0xFFFF  }
0x12f: {  	_ =	shalt  }

</sc_bundles>
